<compile_context>
chip_gen: v7x
topology: tpu7x:2x2x1
jax: 0.10.2.dev20260603
libtpu: 0.0.44.dev20260713+nightly
codegen_flags: <defaults>
</compile_context>

<pallas_src>
import functools

import jax
import jax.numpy as jnp
from jax import lax
from jax.experimental import pallas as pl
from jax.experimental.pallas import tpu as pltpu
from jax.experimental.pallas import tpu_sc as plsc

_NE = 512
_D = 64
_B = 64
_N = 1024
_NTOK = _B * _N
_RB = 8
_IB = 8


def _vq_row(zt_ref, wt_ref, idx_ref, perp_ref, uniq_ref,
            sww_ref, wtm2_ref, counts_ref):
    i = pl.program_id(0)
    nb = pl.num_programs(0)

    @pl.when(i == 0)
    def _prep():
        wt = wt_ref[...]
        wtm2_ref[...] = wt * (-2.0)
        sww_ref[...] = jax.lax.dot_general(
            wt * wt, jnp.ones((_D, 1), jnp.float32),
            (((0,), (0,)), ((), ())))
        counts_ref[...] = jnp.zeros_like(counts_ref)

    cacc = None
    for j in range(_RB):
        zt = zt_ref[...].reshape(_RB, _D, _N)[j]

        s = zt * zt
        for k in (32, 16, 8, 4, 2, 1):
            s = jax.lax.slice(s, (0, 0), (k, _N)) + jax.lax.slice(
                s, (k, 0), (2 * k, _N))
        szz = s

        scores2 = jax.lax.dot_general(wtm2_ref[...], zt,
                                      (((0,), (0,)), ((), ())))
        dist = (szz + sww_ref[...]) + scores2

        dmin = jnp.min(dist, axis=0, keepdims=True)
        code = jax.lax.broadcasted_iota(jnp.int32, dist.shape, 0)
        idx = jnp.min(jnp.where(dist == dmin, code, _NE),
                      axis=0, keepdims=True)

        onehot = (code == idx).astype(jnp.float32)
        idx_ref[pl.ds(jax.lax.rem(i, _IB // _RB) * _RB + j, 1), :] = idx

        c = jax.lax.dot_general(
            onehot, jnp.ones((_N, 1), jnp.float32), (((1,), (0,)), ((), ())),
            preferred_element_type=jnp.float32)
        cacc = c if cacc is None else cacc + c
    counts_ref[...] += cacc

    @pl.when(i == nb - 1)
    def _fin():
        counts = counts_ref[...]
        avg = counts * (1.0 / _NTOK)
        ent = jnp.sum(avg * jnp.log(avg + 1e-10), axis=(0, 1), keepdims=True)
        perp_ref[...] = jnp.exp(-ent)
        uniq_ref[...] = jnp.sum((counts > 0.0).astype(jnp.int32),
                                axis=(0, 1), keepdims=True)


_SC_INFO = plsc.get_sparse_core_info()
_NW = _SC_INFO.num_cores * _SC_INFO.num_subcores
_BPW = _NTOK // _NW
_CHUNK = 512
_NCH = _BPW // _CHUNK


def _sc_gather(table_hbm, idx_hbm, out_hbm, idx_v, rows_v, sem):
    wid = lax.axis_index("s") * _SC_INFO.num_cores + lax.axis_index("c")
    base = wid * _BPW
    pltpu.sync_copy(idx_hbm.at[pl.ds(base, _BPW)], idx_v)
    for c in range(_NCH):
        pltpu.async_copy(
            table_hbm.at[idx_v.at[pl.ds(c * _CHUNK, _CHUNK)]],
            rows_v, sem).wait()
        pltpu.sync_copy(rows_v,
                        out_hbm.at[pl.ds(base + c * _CHUNK, _CHUNK)])


def kernel(z, W):
    original_dtype = z.dtype
    zt = jnp.swapaxes(z.astype(jnp.float32), 1, 2)
    wt = jnp.swapaxes(W, 0, 1)
    idx, perp, uniq = pl.pallas_call(
        _vq_row,
        grid=(_B // _RB,),
        in_specs=[
            pl.BlockSpec((_RB, _D, _N), lambda i: (i, 0, 0)),
            pl.BlockSpec((_D, _NE), lambda i: (0, 0)),
        ],
        out_specs=[
            pl.BlockSpec((_IB, _N), lambda i: (i // (_IB // _RB), 0)),
            pl.BlockSpec((1, 1), lambda i: (0, 0)),
            pl.BlockSpec((1, 1), lambda i: (0, 0)),
        ],
        out_shape=[
            jax.ShapeDtypeStruct((_B, _N), jnp.int32),
            jax.ShapeDtypeStruct((1, 1), jnp.float32),
            jax.ShapeDtypeStruct((1, 1), jnp.int32),
        ],
        scratch_shapes=[
            pltpu.VMEM((_NE, 1), jnp.float32),
            pltpu.VMEM((_D, _NE), jnp.float32),
            pltpu.VMEM((_NE, 1), jnp.float32),
        ],
        compiler_params=pltpu.CompilerParams(
            dimension_semantics=("arbitrary",)),
    )(zt, wt)

    gather = functools.partial(
        pl.kernel,
        mesh=plsc.VectorSubcoreMesh(core_axis_name="c", subcore_axis_name="s"),
        out_type=jax.ShapeDtypeStruct((_NTOK, 128), jnp.float32),
        scratch_types=[
            pltpu.VMEM((_BPW,), jnp.int32),
            pltpu.VMEM((_CHUNK, 128), jnp.float32),
            pltpu.SemaphoreType.DMA,
        ],
    )(_sc_gather)
    wp = jnp.pad(W, ((0, 0), (0, 128 - _D)))
    qwide = gather(wp, idx.reshape(_NTOK))
    quantized = qwide[:, :_D].reshape(_B, _N, _D).astype(original_dtype)
    vq_loss = jnp.zeros((), jnp.float32)
    return (quantized, idx, vq_loss, perp.reshape(()), uniq.reshape(()))

# --- scband reference (transcript-rebuilt; emitter-appended) ---
"""Pipeline reference for scband-prompt-sequence-vq-20392504721504 (READ-ONLY COPY).

The authoritative reference and input builder live on the scoring server;
editing this copy changes nothing except your own understanding.
"""

import jax, jax.numpy as jnp
import numpy as np

NUM_EMBEDDINGS = 512
EMBEDDING_DIM = 64
COMMITMENT_COST = 0.25


def setup_inputs(seed: int = 0) -> dict:
    key = jax.random.key(seed)
    k1, k2 = jax.random.split(key)
    z = jax.random.normal(k1, (64, 1024, EMBEDDING_DIM), dtype=jnp.float32)
    W = jax.random.uniform(k2, (NUM_EMBEDDINGS, EMBEDDING_DIM),
                           minval=-1.0 / NUM_EMBEDDINGS,
                           maxval=1.0 / NUM_EMBEDDINGS,
                           dtype=jnp.float32)
    return {"z": z, "W": W}


def reference(z, W):
    # Eval-mode forward of PromptSequenceVQ (no EMA buffer updates).
    original_dtype = z.dtype
    zf = z.astype(jnp.float32)
    B, N, D = zf.shape
    z_flat = zf.reshape(-1, D)
    # distances: ||z||^2 + ||W||^2 - 2 z W^T
    distances = (jnp.sum(z_flat ** 2, axis=1, keepdims=True)
                 + jnp.sum(W ** 2, axis=1)
                 - 2.0 * jnp.matmul(z_flat, W.T))
    encoding_indices = jnp.argmin(distances, axis=1)
    indices = encoding_indices.reshape(B, N)
    # embedding lookup (gather)
    quantized_flat = jnp.take(W, encoding_indices, axis=0)
    quantized = quantized_flat.reshape(B, N, D)
    # eval mode: vq_loss = 0
    vq_loss = jnp.array(0.0, dtype=jnp.float32)
    # straight-through estimator
    quantized = zf + jax.lax.stop_gradient(quantized - zf)
    quantized = quantized.astype(original_dtype)
    # perplexity from one-hot mean (use bincount)
    counts = jnp.bincount(encoding_indices, length=NUM_EMBEDDINGS).astype(jnp.float32)
    avg_probs = counts / z_flat.shape[0]
    perplexity = jnp.exp(-jnp.sum(avg_probs * jnp.log(avg_probs + 1e-10)))
    unique_codes = jnp.sum(counts > 0).astype(jnp.int32)
    return (quantized, indices, vq_loss, perplexity, unique_codes)

if __name__ == "__main__":
    import jax
    _d = setup_inputs()
    print(jax.jit(kernel)(*tuple(_d.values())))

</pallas_src>

<mosaic_0001>
#map = affine_map<(d0, d1) -> (0, 0)>
#map1 = affine_map<(d0, d1) -> (0)>
module attributes {stable_mosaic.version = 14 : i64} {
  func.func @_sc_gather(%arg0: i32, %arg1: i32, %arg2: memref<512x128xf32, #tpu.memory_space<hbm>>, %arg3: memref<65536xi32, #tpu.memory_space<hbm>>, %arg4: memref<65536x128xf32, #tpu.memory_space<hbm>>, %arg5: memref<2048xi32, #tpu.memory_space<vmem>>, %arg6: memref<512x128xf32, #tpu.memory_space<vmem>>, %arg7: memref<!tpu.dma_semaphore, #tpu.memory_space<semaphore_mem>>) attributes {dimension_semantics = [#tpu.dimension_semantics<core_parallel>, #tpu.dimension_semantics<subcore_parallel>], iteration_bounds = array<i64: 2, 16>, scalar_prefetch = 0 : i64, scratch_operands = 3 : i64, tpu.core_type = #tpu.core_type<sc_vector_subcore>, window_params = [{transform_indices = #map}, {transform_indices = #map1}, {transform_indices = #map}]} {
    %mul3A = arith.constant 2 : i32
    %mul3A_0 = arith.muli %arg1, %mul3A : i32
    %add3A = arith.addi %mul3A_0, %arg0 : i32
    %mul3A_1 = arith.constant 2048 : i32
    %mul3A_2 = arith.muli %add3A, %mul3A_1 : i32
    "tpu.region"() ({
      %run_scoped3A = tpu.sem_alloc : memref<!tpu.dma_semaphore, #tpu.memory_space<semaphore_mem>>
      %dma_start3A_49 = tpu.memref_slice %arg3[%mul3A_2] : memref<65536xi32, #tpu.memory_space<hbm>> -> memref<2048xi32, #tpu.memory_space<hbm>>
      %dma_start3A_50 = tpu.memref_slice %arg3[%mul3A_2] : memref<65536xi32, #tpu.memory_space<hbm>> -> memref<2048xi32, #tpu.memory_space<hbm>>
      tpu.enqueue_dma source(%dma_start3A_50 : memref<2048xi32, #tpu.memory_space<hbm>>) target(%arg5 : memref<2048xi32, #tpu.memory_space<vmem>>) target_semaphore(%run_scoped3A : memref<!tpu.dma_semaphore, #tpu.memory_space<semaphore_mem>>)
      %dma_wait3A_51 = tpu.memref_slice %arg3[%mul3A_2] : memref<65536xi32, #tpu.memory_space<hbm>> -> memref<2048xi32, #tpu.memory_space<hbm>>
      %dma_wait3A_52 = tpu.memref_slice %arg3[%mul3A_2] : memref<65536xi32, #tpu.memory_space<hbm>> -> memref<2048xi32, #tpu.memory_space<hbm>>
      tpu.wait_dma2 semaphore(%run_scoped3A : memref<!tpu.dma_semaphore, #tpu.memory_space<semaphore_mem>>) src(%dma_wait3A_52 : memref<2048xi32, #tpu.memory_space<hbm>>) dst(%arg5 : memref<2048xi32, #tpu.memory_space<vmem>>)
      tpu.yield
    }) : () -> ()
    %dma_start3A = arith.constant 0 : i32
    %dma_start3A_3 = tpu.memref_slice %arg5[%dma_start3A] : memref<2048xi32, #tpu.memory_space<vmem>> -> memref<512xi32, #tpu.memory_space<vmem>>
    %dma_start3A_4 = arith.constant 0 : i32
    %dma_start3A_5 = arith.constant 0 : i32
    %dma_start3A_6 = tpu.memref_slice %arg2[%dma_start3A_4, %dma_start3A_5] : memref<512x128xf32, #tpu.memory_space<hbm>> -> memref<512x128xf32, #tpu.memory_space<hbm>>
    tpu.enqueue_indirect_dma source(%dma_start3A_6 : memref<512x128xf32, #tpu.memory_space<hbm>>) target(%arg6 : memref<512x128xf32, #tpu.memory_space<vmem>>) offsets(%dma_start3A_3 : memref<512xi32, #tpu.memory_space<vmem>>) semaphore(%arg7 : memref<!tpu.dma_semaphore, #tpu.memory_space<semaphore_mem>>)
    %dma_wait3A = arith.constant 0 : i32
    %dma_wait3A_7 = tpu.memref_slice %arg5[%dma_wait3A] : memref<2048xi32, #tpu.memory_space<vmem>> -> memref<512xi32, #tpu.memory_space<vmem>>
    %dma_wait3A_8 = arith.constant 0 : i32
    %dma_wait3A_9 = arith.constant 0 : i32
    %dma_wait3A_10 = tpu.memref_slice %arg2[%dma_wait3A_8, %dma_wait3A_9] : memref<512x128xf32, #tpu.memory_space<hbm>> -> memref<512x128xf32, #tpu.memory_space<hbm>>
    tpu.wait_indirect_dma semaphore(%arg7 : memref<!tpu.dma_semaphore, #tpu.memory_space<semaphore_mem>>) src(%dma_wait3A_10 : memref<512x128xf32, #tpu.memory_space<hbm>>) dst(%arg6 : memref<512x128xf32, #tpu.memory_space<vmem>>)
    %add3A_11 = arith.constant 0 : i32
    %add3A_12 = arith.addi %mul3A_2, %add3A_11 : i32
    "tpu.region"() ({
      %run_scoped3A = tpu.sem_alloc : memref<!tpu.dma_semaphore, #tpu.memory_space<semaphore_mem>>
      %dma_start3A_49 = arith.constant 0 : i32
      %dma_start3A_50 = tpu.memref_slice %arg4[%add3A_12, %dma_start3A_49] : memref<65536x128xf32, #tpu.memory_space<hbm>> -> memref<512x128xf32, #tpu.memory_space<hbm>>
      %dma_start3A_51 = arith.constant 0 : i32
      %dma_start3A_52 = tpu.memref_slice %arg4[%add3A_12, %dma_start3A_51] : memref<65536x128xf32, #tpu.memory_space<hbm>> -> memref<512x128xf32, #tpu.memory_space<hbm>>
      tpu.enqueue_dma source(%arg6 : memref<512x128xf32, #tpu.memory_space<vmem>>) target(%dma_start3A_52 : memref<512x128xf32, #tpu.memory_space<hbm>>) target_semaphore(%run_scoped3A : memref<!tpu.dma_semaphore, #tpu.memory_space<semaphore_mem>>)
      %dma_wait3A_53 = arith.constant 0 : i32
      %dma_wait3A_54 = tpu.memref_slice %arg4[%add3A_12, %dma_wait3A_53] : memref<65536x128xf32, #tpu.memory_space<hbm>> -> memref<512x128xf32, #tpu.memory_space<hbm>>
      %dma_wait3A_55 = arith.constant 0 : i32
      %dma_wait3A_56 = tpu.memref_slice %arg4[%add3A_12, %dma_wait3A_55] : memref<65536x128xf32, #tpu.memory_space<hbm>> -> memref<512x128xf32, #tpu.memory_space<hbm>>
      tpu.wait_dma2 semaphore(%run_scoped3A : memref<!tpu.dma_semaphore, #tpu.memory_space<semaphore_mem>>) src(%arg6 : memref<512x128xf32, #tpu.memory_space<vmem>>) dst(%dma_wait3A_56 : memref<512x128xf32, #tpu.memory_space<hbm>>)
      tpu.yield
    }) : () -> ()
    %dma_start3A_13 = arith.constant 512 : i32
    %dma_start3A_14 = tpu.memref_slice %arg5[%dma_start3A_13] : memref<2048xi32, #tpu.memory_space<vmem>> -> memref<512xi32, #tpu.memory_space<vmem>>
    %dma_start3A_15 = arith.constant 0 : i32
    %dma_start3A_16 = arith.constant 0 : i32
    %dma_start3A_17 = tpu.memref_slice %arg2[%dma_start3A_15, %dma_start3A_16] : memref<512x128xf32, #tpu.memory_space<hbm>> -> memref<512x128xf32, #tpu.memory_space<hbm>>
    tpu.enqueue_indirect_dma source(%dma_start3A_17 : memref<512x128xf32, #tpu.memory_space<hbm>>) target(%arg6 : memref<512x128xf32, #tpu.memory_space<vmem>>) offsets(%dma_start3A_14 : memref<512xi32, #tpu.memory_space<vmem>>) semaphore(%arg7 : memref<!tpu.dma_semaphore, #tpu.memory_space<semaphore_mem>>)
    %dma_wait3A_18 = arith.constant 512 : i32
    %dma_wait3A_19 = tpu.memref_slice %arg5[%dma_wait3A_18] : memref<2048xi32, #tpu.memory_space<vmem>> -> memref<512xi32, #tpu.memory_space<vmem>>
    %dma_wait3A_20 = arith.constant 0 : i32
    %dma_wait3A_21 = arith.constant 0 : i32
    %dma_wait3A_22 = tpu.memref_slice %arg2[%dma_wait3A_20, %dma_wait3A_21] : memref<512x128xf32, #tpu.memory_space<hbm>> -> memref<512x128xf32, #tpu.memory_space<hbm>>
    tpu.wait_indirect_dma semaphore(%arg7 : memref<!tpu.dma_semaphore, #tpu.memory_space<semaphore_mem>>) src(%dma_wait3A_22 : memref<512x128xf32, #tpu.memory_space<hbm>>) dst(%arg6 : memref<512x128xf32, #tpu.memory_space<vmem>>)
    %add3A_23 = arith.constant 512 : i32
    %add3A_24 = arith.addi %mul3A_2, %add3A_23 : i32
    "tpu.region"() ({
      %run_scoped3A = tpu.sem_alloc : memref<!tpu.dma_semaphore, #tpu.memory_space<semaphore_mem>>
      %dma_start3A_49 = arith.constant 0 : i32
      %dma_start3A_50 = tpu.memref_slice %arg4[%add3A_24, %dma_start3A_49] : memref<65536x128xf32, #tpu.memory_space<hbm>> -> memref<512x128xf32, #tpu.memory_space<hbm>>
      %dma_start3A_51 = arith.constant 0 : i32
      %dma_start3A_52 = tpu.memref_slice %arg4[%add3A_24, %dma_start3A_51] : memref<65536x128xf32, #tpu.memory_space<hbm>> -> memref<512x128xf32, #tpu.memory_space<hbm>>
      tpu.enqueue_dma source(%arg6 : memref<512x128xf32, #tpu.memory_space<vmem>>) target(%dma_start3A_52 : memref<512x128xf32, #tpu.memory_space<hbm>>) target_semaphore(%run_scoped3A : memref<!tpu.dma_semaphore, #tpu.memory_space<semaphore_mem>>)
      %dma_wait3A_53 = arith.constant 0 : i32
      %dma_wait3A_54 = tpu.memref_slice %arg4[%add3A_24, %dma_wait3A_53] : memref<65536x128xf32, #tpu.memory_space<hbm>> -> memref<512x128xf32, #tpu.memory_space<hbm>>
      %dma_wait3A_55 = arith.constant 0 : i32
      %dma_wait3A_56 = tpu.memref_slice %arg4[%add3A_24, %dma_wait3A_55] : memref<65536x128xf32, #tpu.memory_space<hbm>> -> memref<512x128xf32, #tpu.memory_space<hbm>>
      tpu.wait_dma2 semaphore(%run_scoped3A : memref<!tpu.dma_semaphore, #tpu.memory_space<semaphore_mem>>) src(%arg6 : memref<512x128xf32, #tpu.memory_space<vmem>>) dst(%dma_wait3A_56 : memref<512x128xf32, #tpu.memory_space<hbm>>)
      tpu.yield
    }) : () -> ()
    %dma_start3A_25 = arith.constant 1024 : i32
    %dma_start3A_26 = tpu.memref_slice %arg5[%dma_start3A_25] : memref<2048xi32, #tpu.memory_space<vmem>> -> memref<512xi32, #tpu.memory_space<vmem>>
    %dma_start3A_27 = arith.constant 0 : i32
    %dma_start3A_28 = arith.constant 0 : i32
    %dma_start3A_29 = tpu.memref_slice %arg2[%dma_start3A_27, %dma_start3A_28] : memref<512x128xf32, #tpu.memory_space<hbm>> -> memref<512x128xf32, #tpu.memory_space<hbm>>
    tpu.enqueue_indirect_dma source(%dma_start3A_29 : memref<512x128xf32, #tpu.memory_space<hbm>>) target(%arg6 : memref<512x128xf32, #tpu.memory_space<vmem>>) offsets(%dma_start3A_26 : memref<512xi32, #tpu.memory_space<vmem>>) semaphore(%arg7 : memref<!tpu.dma_semaphore, #tpu.memory_space<semaphore_mem>>)
    %dma_wait3A_30 = arith.constant 1024 : i32
    %dma_wait3A_31 = tpu.memref_slice %arg5[%dma_wait3A_30] : memref<2048xi32, #tpu.memory_space<vmem>> -> memref<512xi32, #tpu.memory_space<vmem>>
    %dma_wait3A_32 = arith.constant 0 : i32
    %dma_wait3A_33 = arith.constant 0 : i32
    %dma_wait3A_34 = tpu.memref_slice %arg2[%dma_wait3A_32, %dma_wait3A_33] : memref<512x128xf32, #tpu.memory_space<hbm>> -> memref<512x128xf32, #tpu.memory_space<hbm>>
    tpu.wait_indirect_dma semaphore(%arg7 : memref<!tpu.dma_semaphore, #tpu.memory_space<semaphore_mem>>) src(%dma_wait3A_34 : memref<512x128xf32, #tpu.memory_space<hbm>>) dst(%arg6 : memref<512x128xf32, #tpu.memory_space<vmem>>)
    %add3A_35 = arith.constant 1024 : i32
    %add3A_36 = arith.addi %mul3A_2, %add3A_35 : i32
    "tpu.region"() ({
      %run_scoped3A = tpu.sem_alloc : memref<!tpu.dma_semaphore, #tpu.memory_space<semaphore_mem>>
      %dma_start3A_49 = arith.constant 0 : i32
      %dma_start3A_50 = tpu.memref_slice %arg4[%add3A_36, %dma_start3A_49] : memref<65536x128xf32, #tpu.memory_space<hbm>> -> memref<512x128xf32, #tpu.memory_space<hbm>>
      %dma_start3A_51 = arith.constant 0 : i32
      %dma_start3A_52 = tpu.memref_slice %arg4[%add3A_36, %dma_start3A_51] : memref<65536x128xf32, #tpu.memory_space<hbm>> -> memref<512x128xf32, #tpu.memory_space<hbm>>
      tpu.enqueue_dma source(%arg6 : memref<512x128xf32, #tpu.memory_space<vmem>>) target(%dma_start3A_52 : memref<512x128xf32, #tpu.memory_space<hbm>>) target_semaphore(%run_scoped3A : memref<!tpu.dma_semaphore, #tpu.memory_space<semaphore_mem>>)
      %dma_wait3A_53 = arith.constant 0 : i32
      %dma_wait3A_54 = tpu.memref_slice %arg4[%add3A_36, %dma_wait3A_53] : memref<65536x128xf32, #tpu.memory_space<hbm>> -> memref<512x128xf32, #tpu.memory_space<hbm>>
      %dma_wait3A_55 = arith.constant 0 : i32
      %dma_wait3A_56 = tpu.memref_slice %arg4[%add3A_36, %dma_wait3A_55] : memref<65536x128xf32, #tpu.memory_space<hbm>> -> memref<512x128xf32, #tpu.memory_space<hbm>>
      tpu.wait_dma2 semaphore(%run_scoped3A : memref<!tpu.dma_semaphore, #tpu.memory_space<semaphore_mem>>) src(%arg6 : memref<512x128xf32, #tpu.memory_space<vmem>>) dst(%dma_wait3A_56 : memref<512x128xf32, #tpu.memory_space<hbm>>)
      tpu.yield
    }) : () -> ()
    %dma_start3A_37 = arith.constant 1536 : i32
    %dma_start3A_38 = tpu.memref_slice %arg5[%dma_start3A_37] : memref<2048xi32, #tpu.memory_space<vmem>> -> memref<512xi32, #tpu.memory_space<vmem>>
    %dma_start3A_39 = arith.constant 0 : i32
    %dma_start3A_40 = arith.constant 0 : i32
    %dma_start3A_41 = tpu.memref_slice %arg2[%dma_start3A_39, %dma_start3A_40] : memref<512x128xf32, #tpu.memory_space<hbm>> -> memref<512x128xf32, #tpu.memory_space<hbm>>
    tpu.enqueue_indirect_dma source(%dma_start3A_41 : memref<512x128xf32, #tpu.memory_space<hbm>>) target(%arg6 : memref<512x128xf32, #tpu.memory_space<vmem>>) offsets(%dma_start3A_38 : memref<512xi32, #tpu.memory_space<vmem>>) semaphore(%arg7 : memref<!tpu.dma_semaphore, #tpu.memory_space<semaphore_mem>>)
    %dma_wait3A_42 = arith.constant 1536 : i32
    %dma_wait3A_43 = tpu.memref_slice %arg5[%dma_wait3A_42] : memref<2048xi32, #tpu.memory_space<vmem>> -> memref<512xi32, #tpu.memory_space<vmem>>
    %dma_wait3A_44 = arith.constant 0 : i32
    %dma_wait3A_45 = arith.constant 0 : i32
    %dma_wait3A_46 = tpu.memref_slice %arg2[%dma_wait3A_44, %dma_wait3A_45] : memref<512x128xf32, #tpu.memory_space<hbm>> -> memref<512x128xf32, #tpu.memory_space<hbm>>
    tpu.wait_indirect_dma semaphore(%arg7 : memref<!tpu.dma_semaphore, #tpu.memory_space<semaphore_mem>>) src(%dma_wait3A_46 : memref<512x128xf32, #tpu.memory_space<hbm>>) dst(%arg6 : memref<512x128xf32, #tpu.memory_space<vmem>>)
    %add3A_47 = arith.constant 1536 : i32
    %add3A_48 = arith.addi %mul3A_2, %add3A_47 : i32
    "tpu.region"() ({
      %run_scoped3A = tpu.sem_alloc : memref<!tpu.dma_semaphore, #tpu.memory_space<semaphore_mem>>
      %dma_start3A_49 = arith.constant 0 : i32
      %dma_start3A_50 = tpu.memref_slice %arg4[%add3A_48, %dma_start3A_49] : memref<65536x128xf32, #tpu.memory_space<hbm>> -> memref<512x128xf32, #tpu.memory_space<hbm>>
      %dma_start3A_51 = arith.constant 0 : i32
      %dma_start3A_52 = tpu.memref_slice %arg4[%add3A_48, %dma_start3A_51] : memref<65536x128xf32, #tpu.memory_space<hbm>> -> memref<512x128xf32, #tpu.memory_space<hbm>>
      tpu.enqueue_dma source(%arg6 : memref<512x128xf32, #tpu.memory_space<vmem>>) target(%dma_start3A_52 : memref<512x128xf32, #tpu.memory_space<hbm>>) target_semaphore(%run_scoped3A : memref<!tpu.dma_semaphore, #tpu.memory_space<semaphore_mem>>)
      %dma_wait3A_53 = arith.constant 0 : i32
      %dma_wait3A_54 = tpu.memref_slice %arg4[%add3A_48, %dma_wait3A_53] : memref<65536x128xf32, #tpu.memory_space<hbm>> -> memref<512x128xf32, #tpu.memory_space<hbm>>
      %dma_wait3A_55 = arith.constant 0 : i32
      %dma_wait3A_56 = tpu.memref_slice %arg4[%add3A_48, %dma_wait3A_55] : memref<65536x128xf32, #tpu.memory_space<hbm>> -> memref<512x128xf32, #tpu.memory_space<hbm>>
      tpu.wait_dma2 semaphore(%run_scoped3A : memref<!tpu.dma_semaphore, #tpu.memory_space<semaphore_mem>>) src(%arg6 : memref<512x128xf32, #tpu.memory_space<vmem>>) dst(%dma_wait3A_56 : memref<512x128xf32, #tpu.memory_space<hbm>>)
      tpu.yield
    }) : () -> ()
    return
  }
}

module attributes {stable_mosaic.version = 14 : i64} {
  func.func @_vq_row(%arg0: i32, %arg1: memref<8x64x1024xf32, #tpu.memory_space<vmem>>, %arg2: memref<64x512xf32, #tpu.memory_space<vmem>>, %arg3: memref<8x1024xi32, #tpu.memory_space<vmem>>, %arg4: memref<1x1xf32, #tpu.memory_space<vmem>>, %arg5: memref<1x1xi32, #tpu.memory_space<vmem>>, %arg6: memref<512x1xf32, #tpu.memory_space<vmem>>, %arg7: memref<64x512xf32, #tpu.memory_space<vmem>>, %arg8: memref<512x1xf32, #tpu.memory_space<vmem>>) attributes {dimension_semantics = [#tpu.dimension_semantics<arbitrary>], iteration_bounds = array<i64: 8>, scalar_prefetch = 0 : i64, scratch_operands = 3 : i64, tpu.core_type = #tpu.core_type<tc>, window_params = [{transform_indices = @transform_0, window_bounds = array<i64: 8, 64, 1024>}, {pipeline_mode = #tpu.pipeline_mode<synchronous>, transform_indices = @transform_1, window_bounds = array<i64: 64, 512>}, {transform_indices = @transform_2, window_bounds = array<i64: 8, 1024>}, {pipeline_mode = #tpu.pipeline_mode<synchronous>, transform_indices = @transform_3, window_bounds = array<i64: 1, 1>}, {pipeline_mode = #tpu.pipeline_mode<synchronous>, transform_indices = @transform_4, window_bounds = array<i64: 1, 1>}]} {
    %eq3A = arith.constant 0 : i32
    %eq3A_0 = arith.cmpi eq, %arg0, %eq3A : i32
    %convert_element_type3A = arith.extui %eq3A_0 : i1 to i32
    %cond3A = arith.constant 0 : i32
    %cond3A_1 = arith.cmpi ne, %convert_element_type3A, %cond3A : i32
    scf.if %cond3A_1 {
      %get3A_536 = arith.constant 0 : index
      %get3A_537 = arith.constant 0 : index
      %get3A_538 = vector.load %arg2[%get3A_536, %get3A_537] : memref<64x512xf32, #tpu.memory_space<vmem>>, vector<64x512xf32>
      %mul3A_539 = arith.constant -2.000000e+00 : f32
      %mul3A_540 = vector.broadcast %mul3A_539 : f32 to vector<64x512xf32>
      %mul3A_541 = arith.mulf %get3A_538, %mul3A_540 : vector<64x512xf32>
      %swap3A_542 = arith.constant 0 : index
      %swap3A_543 = arith.constant 0 : index
      %swap3A_544 = vector.load %arg7[%swap3A_542, %swap3A_543] : memref<64x512xf32, #tpu.memory_space<vmem>>, vector<64x512xf32>
      tpu.vector_store %arg7[%swap3A_542, %swap3A_543], %mul3A_541 {strides = array<i32>} : memref<64x512xf32, #tpu.memory_space<vmem>>, vector<64x512xf32>,
      %mul3A_545 = arith.mulf %get3A_538, %get3A_538 : vector<64x512xf32>
      %broadcast_in_dim3A_546 = arith.constant 1.000000e+00 : f32
      %broadcast_in_dim3A_547 = vector.broadcast %broadcast_in_dim3A_546 : f32 to vector<64x1xf32>
      %dot_general3A_548 = arith.constant dense<0.000000e+00> : vector<512x1xf32>
      %dot_general3A_549 = tpu.matmul %mul3A_545, %broadcast_in_dim3A_547, %dot_general3A_548 {dimension_numbers = #tpu.dot_dimension_numbers<[0], [0], [1], [1], [0, 1, 1, 1], [], []>, transpose_lhs_hint = false} : vector<64x512xf32>, vector<64x1xf32>, vector<512x1xf32> -> vector<512x1xf32>
      %swap3A_550 = arith.constant 0 : index
      %swap3A_551 = arith.constant 0 : index
      %swap3A_552 = vector.load %arg6[%swap3A_550, %swap3A_551] : memref<512x1xf32, #tpu.memory_space<vmem>>, vector<512x1xf32>
      tpu.vector_store %arg6[%swap3A_550, %swap3A_551], %dot_general3A_549 {strides = array<i32>} : memref<512x1xf32, #tpu.memory_space<vmem>>, vector<512x1xf32>,
      %broadcast_in_dim3A_553 = arith.constant 0.000000e+00 : f32
      %broadcast_in_dim3A_554 = vector.broadcast %broadcast_in_dim3A_553 : f32 to vector<512x1xf32>
      %swap3A_555 = arith.constant 0 : index
      %swap3A_556 = arith.constant 0 : index
      %swap3A_557 = vector.load %arg8[%swap3A_555, %swap3A_556] : memref<512x1xf32, #tpu.memory_space<vmem>>, vector<512x1xf32>
      tpu.vector_store %arg8[%swap3A_555, %swap3A_556], %broadcast_in_dim3A_554 {strides = array<i32>} : memref<512x1xf32, #tpu.memory_space<vmem>>, vector<512x1xf32>,
    } else {
    }
    %get3A = arith.constant 0 : index
    %get3A_2 = arith.constant 0 : index
    %get3A_3 = arith.constant 0 : index
    %get3A_4 = vector.load %arg1[%get3A, %get3A_2, %get3A_3] : memref<8x64x1024xf32, #tpu.memory_space<vmem>>, vector<8x64x1024xf32>
    %slice3A = vector.extract_strided_slice %get3A_4 {offsets = [0, 0, 0], sizes = [1, 64, 1024], strides = [1, 1, 1]} : vector<8x64x1024xf32> to vector<1x64x1024xf32>
    %squeeze3A = vector.shape_cast %slice3A : vector<1x64x1024xf32> to vector<64x1024xf32>
    %mul3A = arith.mulf %squeeze3A, %squeeze3A : vector<64x1024xf32>
    %slice3A_5 = vector.extract_strided_slice %mul3A {offsets = [0, 0], sizes = [32, 1024], strides = [1, 1]} : vector<64x1024xf32> to vector<32x1024xf32>
    %slice3A_6 = vector.extract_strided_slice %mul3A {offsets = [32, 0], sizes = [32, 1024], strides = [1, 1]} : vector<64x1024xf32> to vector<32x1024xf32>
    %add3A = arith.addf %slice3A_5, %slice3A_6 : vector<32x1024xf32>
    %slice3A_7 = vector.extract_strided_slice %add3A {offsets = [0, 0], sizes = [16, 1024], strides = [1, 1]} : vector<32x1024xf32> to vector<16x1024xf32>
    %slice3A_8 = vector.extract_strided_slice %add3A {offsets = [16, 0], sizes = [16, 1024], strides = [1, 1]} : vector<32x1024xf32> to vector<16x1024xf32>
    %add3A_9 = arith.addf %slice3A_7, %slice3A_8 : vector<16x1024xf32>
    %slice3A_10 = vector.extract_strided_slice %add3A_9 {offsets = [0, 0], sizes = [8, 1024], strides = [1, 1]} : vector<16x1024xf32> to vector<8x1024xf32>
    %slice3A_11 = vector.extract_strided_slice %add3A_9 {offsets = [8, 0], sizes = [8, 1024], strides = [1, 1]} : vector<16x1024xf32> to vector<8x1024xf32>
    %add3A_12 = arith.addf %slice3A_10, %slice3A_11 : vector<8x1024xf32>
    %slice3A_13 = vector.extract_strided_slice %add3A_12 {offsets = [0, 0], sizes = [4, 1024], strides = [1, 1]} : vector<8x1024xf32> to vector<4x1024xf32>
    %slice3A_14 = vector.extract_strided_slice %add3A_12 {offsets = [4, 0], sizes = [4, 1024], strides = [1, 1]} : vector<8x1024xf32> to vector<4x1024xf32>
    %add3A_15 = arith.addf %slice3A_13, %slice3A_14 : vector<4x1024xf32>
    %slice3A_16 = vector.extract_strided_slice %add3A_15 {offsets = [0, 0], sizes = [2, 1024], strides = [1, 1]} : vector<4x1024xf32> to vector<2x1024xf32>
    %slice3A_17 = vector.extract_strided_slice %add3A_15 {offsets = [2, 0], sizes = [2, 1024], strides = [1, 1]} : vector<4x1024xf32> to vector<2x1024xf32>
    %add3A_18 = arith.addf %slice3A_16, %slice3A_17 : vector<2x1024xf32>
    %slice3A_19 = vector.extract_strided_slice %add3A_18 {offsets = [0, 0], sizes = [1, 1024], strides = [1, 1]} : vector<2x1024xf32> to vector<1x1024xf32>
    %slice3A_20 = vector.extract_strided_slice %add3A_18 {offsets = [1, 0], sizes = [1, 1024], strides = [1, 1]} : vector<2x1024xf32> to vector<1x1024xf32>
    %add3A_21 = arith.addf %slice3A_19, %slice3A_20 : vector<1x1024xf32>
    %get3A_22 = arith.constant 0 : index
    %get3A_23 = arith.constant 0 : index
    %get3A_24 = vector.load %arg7[%get3A_22, %get3A_23] : memref<64x512xf32, #tpu.memory_space<vmem>>, vector<64x512xf32>
    %dot_general3A = arith.constant dense<0.000000e+00> : vector<512x1024xf32>
    %dot_general3A_25 = tpu.matmul %get3A_24, %squeeze3A, %dot_general3A {dimension_numbers = #tpu.dot_dimension_numbers<[0], [0], [1], [1], [0, 1, 1, 1], [], []>, transpose_lhs_hint = false} : vector<64x512xf32>, vector<64x1024xf32>, vector<512x1024xf32> -> vector<512x1024xf32>
    %get3A_26 = arith.constant 0 : index
    %get3A_27 = arith.constant 0 : index
    %get3A_28 = vector.load %arg6[%get3A_26, %get3A_27] : memref<512x1xf32, #tpu.memory_space<vmem>>, vector<512x1xf32>
    %add3A_29 = vector.broadcast %add3A_21 : vector<1x1024xf32> to vector<512x1024xf32>
    %add3A_30 = vector.broadcast %get3A_28 : vector<512x1xf32> to vector<512x1024xf32>
    %add3A_31 = arith.addf %add3A_29, %add3A_30 : vector<512x1024xf32>
    %add3A_32 = arith.addf %add3A_31, %dot_general3A_25 : vector<512x1024xf32>
    %reduce_min3A = arith.constant dense<0x7F800000> : vector<1024xf32>
    %reduce_min3A_33 = vector.multi_reduction <minimumf>, %add3A_32, %reduce_min3A [0] : vector<512x1024xf32> to vector<1024xf32>
    %broadcast_in_dim3A = vector.shape_cast %reduce_min3A_33 : vector<1024xf32> to vector<1x1024xf32>
    %iota3A = tpu.iota {dimensions = array<i32: 0>} : vector<512x1024xi32>
    %eq3A_34 = vector.broadcast %broadcast_in_dim3A : vector<1x1024xf32> to vector<512x1024xf32>
    %eq3A_35 = arith.cmpf oeq, %add3A_32, %eq3A_34 : vector<512x1024xf32>
    %jit3A = arith.constant 512 : i32
    %broadcast_in_dim3A_36 = vector.broadcast %jit3A : i32 to vector<512x1024xi32>
    %select_n3A = arith.select %eq3A_35, %iota3A, %broadcast_in_dim3A_36 : vector<512x1024xi1>, vector<512x1024xi32>
    %reduce_min3A_37 = arith.constant dense<2147483647> : vector<1024xi32>
    %reduce_min3A_38 = vector.multi_reduction <minsi>, %select_n3A, %reduce_min3A_37 [0] : vector<512x1024xi32> to vector<1024xi32>
    %broadcast_in_dim3A_39 = vector.shape_cast %reduce_min3A_38 : vector<1024xi32> to vector<1x1024xi32>
    %eq3A_40 = vector.broadcast %broadcast_in_dim3A_39 : vector<1x1024xi32> to vector<512x1024xi32>
    %eq3A_41 = arith.cmpi eq, %iota3A, %eq3A_40 : vector<512x1024xi32>
    %convert_element_type3A_42 = arith.extui %eq3A_41 : vector<512x1024xi1> to vector<512x1024xi32>
    %convert_element_type3A_43 = arith.sitofp %convert_element_type3A_42 : vector<512x1024xi32> to vector<512x1024xf32>
    %rem3A = arith.constant 1 : i32
    %rem3A_44 = arith.remsi %arg0, %rem3A : i32
    %mul3A_45 = arith.constant 8 : i32
    %mul3A_46 = arith.muli %rem3A_44, %mul3A_45 : i32
    %add3A_47 = arith.constant 0 : i32
    %add3A_48 = arith.addi %mul3A_46, %add3A_47 : i32
    %swap3A = arith.index_cast %add3A_48 : i32 to index
    %swap3A_49 = arith.constant 0 : index
    %swap3A_50 = vector.load %arg3[%swap3A, %swap3A_49] : memref<8x1024xi32, #tpu.memory_space<vmem>>, vector<1x1024xi32>
    tpu.vector_store %arg3[%swap3A, %swap3A_49], %broadcast_in_dim3A_39 {strides = array<i32>} : memref<8x1024xi32, #tpu.memory_space<vmem>>, vector<1x1024xi32>,
    %broadcast_in_dim3A_51 = arith.constant 1.000000e+00 : f32
    %broadcast_in_dim3A_52 = vector.broadcast %broadcast_in_dim3A_51 : f32 to vector<1024x1xf32>
    %dot_general3A_53 = arith.constant dense<0.000000e+00> : vector<512x1xf32>
    %dot_general3A_54 = tpu.matmul %convert_element_type3A_43, %broadcast_in_dim3A_52, %dot_general3A_53 {dimension_numbers = #tpu.dot_dimension_numbers<[1], [0], [0], [1], [0, 0, 1, 1], [], []>, transpose_lhs_hint = false} : vector<512x1024xf32>, vector<1024x1xf32>, vector<512x1xf32> -> vector<512x1xf32>
    %get3A_55 = arith.constant 0 : index
    %get3A_56 = arith.constant 0 : index
    %get3A_57 = arith.constant 0 : index
    %get3A_58 = vector.load %arg1[%get3A_55, %get3A_56, %get3A_57] : memref<8x64x1024xf32, #tpu.memory_space<vmem>>, vector<8x64x1024xf32>
    %slice3A_59 = vector.extract_strided_slice %get3A_58 {offsets = [1, 0, 0], sizes = [1, 64, 1024], strides = [1, 1, 1]} : vector<8x64x1024xf32> to vector<1x64x1024xf32>
    %squeeze3A_60 = vector.shape_cast %slice3A_59 : vector<1x64x1024xf32> to vector<64x1024xf32>
    %mul3A_61 = arith.mulf %squeeze3A_60, %squeeze3A_60 : vector<64x1024xf32>
    %slice3A_62 = vector.extract_strided_slice %mul3A_61 {offsets = [0, 0], sizes = [32, 1024], strides = [1, 1]} : vector<64x1024xf32> to vector<32x1024xf32>
    %slice3A_63 = vector.extract_strided_slice %mul3A_61 {offsets = [32, 0], sizes = [32, 1024], strides = [1, 1]} : vector<64x1024xf32> to vector<32x1024xf32>
    %add3A_64 = arith.addf %slice3A_62, %slice3A_63 : vector<32x1024xf32>
    %slice3A_65 = vector.extract_strided_slice %add3A_64 {offsets = [0, 0], sizes = [16, 1024], strides = [1, 1]} : vector<32x1024xf32> to vector<16x1024xf32>
    %slice3A_66 = vector.extract_strided_slice %add3A_64 {offsets = [16, 0], sizes = [16, 1024], strides = [1, 1]} : vector<32x1024xf32> to vector<16x1024xf32>
    %add3A_67 = arith.addf %slice3A_65, %slice3A_66 : vector<16x1024xf32>
    %slice3A_68 = vector.extract_strided_slice %add3A_67 {offsets = [0, 0], sizes = [8, 1024], strides = [1, 1]} : vector<16x1024xf32> to vector<8x1024xf32>
    %slice3A_69 = vector.extract_strided_slice %add3A_67 {offsets = [8, 0], sizes = [8, 1024], strides = [1, 1]} : vector<16x1024xf32> to vector<8x1024xf32>
    %add3A_70 = arith.addf %slice3A_68, %slice3A_69 : vector<8x1024xf32>
    %slice3A_71 = vector.extract_strided_slice %add3A_70 {offsets = [0, 0], sizes = [4, 1024], strides = [1, 1]} : vector<8x1024xf32> to vector<4x1024xf32>
    %slice3A_72 = vector.extract_strided_slice %add3A_70 {offsets = [4, 0], sizes = [4, 1024], strides = [1, 1]} : vector<8x1024xf32> to vector<4x1024xf32>
    %add3A_73 = arith.addf %slice3A_71, %slice3A_72 : vector<4x1024xf32>
    %slice3A_74 = vector.extract_strided_slice %add3A_73 {offsets = [0, 0], sizes = [2, 1024], strides = [1, 1]} : vector<4x1024xf32> to vector<2x1024xf32>
    %slice3A_75 = vector.extract_strided_slice %add3A_73 {offsets = [2, 0], sizes = [2, 1024], strides = [1, 1]} : vector<4x1024xf32> to vector<2x1024xf32>
    %add3A_76 = arith.addf %slice3A_74, %slice3A_75 : vector<2x1024xf32>
    %slice3A_77 = vector.extract_strided_slice %add3A_76 {offsets = [0, 0], sizes = [1, 1024], strides = [1, 1]} : vector<2x1024xf32> to vector<1x1024xf32>
    %slice3A_78 = vector.extract_strided_slice %add3A_76 {offsets = [1, 0], sizes = [1, 1024], strides = [1, 1]} : vector<2x1024xf32> to vector<1x1024xf32>
    %add3A_79 = arith.addf %slice3A_77, %slice3A_78 : vector<1x1024xf32>
    %get3A_80 = arith.constant 0 : index
    %get3A_81 = arith.constant 0 : index
    %get3A_82 = vector.load %arg7[%get3A_80, %get3A_81] : memref<64x512xf32, #tpu.memory_space<vmem>>, vector<64x512xf32>
    %dot_general3A_83 = arith.constant dense<0.000000e+00> : vector<512x1024xf32>
    %dot_general3A_84 = tpu.matmul %get3A_82, %squeeze3A_60, %dot_general3A_83 {dimension_numbers = #tpu.dot_dimension_numbers<[0], [0], [1], [1], [0, 1, 1, 1], [], []>, transpose_lhs_hint = false} : vector<64x512xf32>, vector<64x1024xf32>, vector<512x1024xf32> -> vector<512x1024xf32>
    %get3A_85 = arith.constant 0 : index
    %get3A_86 = arith.constant 0 : index
    %get3A_87 = vector.load %arg6[%get3A_85, %get3A_86] : memref<512x1xf32, #tpu.memory_space<vmem>>, vector<512x1xf32>
    %add3A_88 = vector.broadcast %add3A_79 : vector<1x1024xf32> to vector<512x1024xf32>
    %add3A_89 = vector.broadcast %get3A_87 : vector<512x1xf32> to vector<512x1024xf32>
    %add3A_90 = arith.addf %add3A_88, %add3A_89 : vector<512x1024xf32>
    %add3A_91 = arith.addf %add3A_90, %dot_general3A_84 : vector<512x1024xf32>
    %reduce_min3A_92 = arith.constant dense<0x7F800000> : vector<1024xf32>
    %reduce_min3A_93 = vector.multi_reduction <minimumf>, %add3A_91, %reduce_min3A_92 [0] : vector<512x1024xf32> to vector<1024xf32>
    %broadcast_in_dim3A_94 = vector.shape_cast %reduce_min3A_93 : vector<1024xf32> to vector<1x1024xf32>
    %iota3A_95 = tpu.iota {dimensions = array<i32: 0>} : vector<512x1024xi32>
    %eq3A_96 = vector.broadcast %broadcast_in_dim3A_94 : vector<1x1024xf32> to vector<512x1024xf32>
    %eq3A_97 = arith.cmpf oeq, %add3A_91, %eq3A_96 : vector<512x1024xf32>
    %jit3A_98 = arith.constant 512 : i32
    %broadcast_in_dim3A_99 = vector.broadcast %jit3A_98 : i32 to vector<512x1024xi32>
    %select_n3A_100 = arith.select %eq3A_97, %iota3A_95, %broadcast_in_dim3A_99 : vector<512x1024xi1>, vector<512x1024xi32>
    %reduce_min3A_101 = arith.constant dense<2147483647> : vector<1024xi32>
    %reduce_min3A_102 = vector.multi_reduction <minsi>, %select_n3A_100, %reduce_min3A_101 [0] : vector<512x1024xi32> to vector<1024xi32>
    %broadcast_in_dim3A_103 = vector.shape_cast %reduce_min3A_102 : vector<1024xi32> to vector<1x1024xi32>
    %eq3A_104 = vector.broadcast %broadcast_in_dim3A_103 : vector<1x1024xi32> to vector<512x1024xi32>
    %eq3A_105 = arith.cmpi eq, %iota3A_95, %eq3A_104 : vector<512x1024xi32>
    %convert_element_type3A_106 = arith.extui %eq3A_105 : vector<512x1024xi1> to vector<512x1024xi32>
    %convert_element_type3A_107 = arith.sitofp %convert_element_type3A_106 : vector<512x1024xi32> to vector<512x1024xf32>
    %rem3A_108 = arith.constant 1 : i32
    %rem3A_109 = arith.remsi %arg0, %rem3A_108 : i32
    %mul3A_110 = arith.constant 8 : i32
    %mul3A_111 = arith.muli %rem3A_109, %mul3A_110 : i32
    %add3A_112 = arith.constant 1 : i32
    %add3A_113 = arith.addi %mul3A_111, %add3A_112 : i32
    %swap3A_114 = arith.index_cast %add3A_113 : i32 to index
    %swap3A_115 = arith.constant 0 : index
    %swap3A_116 = vector.load %arg3[%swap3A_114, %swap3A_115] : memref<8x1024xi32, #tpu.memory_space<vmem>>, vector<1x1024xi32>
    tpu.vector_store %arg3[%swap3A_114, %swap3A_115], %broadcast_in_dim3A_103 {strides = array<i32>} : memref<8x1024xi32, #tpu.memory_space<vmem>>, vector<1x1024xi32>,
    %broadcast_in_dim3A_117 = arith.constant 1.000000e+00 : f32
    %broadcast_in_dim3A_118 = vector.broadcast %broadcast_in_dim3A_117 : f32 to vector<1024x1xf32>
    %dot_general3A_119 = arith.constant dense<0.000000e+00> : vector<512x1xf32>
    %dot_general3A_120 = tpu.matmul %convert_element_type3A_107, %broadcast_in_dim3A_118, %dot_general3A_119 {dimension_numbers = #tpu.dot_dimension_numbers<[1], [0], [0], [1], [0, 0, 1, 1], [], []>, transpose_lhs_hint = false} : vector<512x1024xf32>, vector<1024x1xf32>, vector<512x1xf32> -> vector<512x1xf32>
    %add3A_121 = arith.addf %dot_general3A_54, %dot_general3A_120 : vector<512x1xf32>
    %get3A_122 = arith.constant 0 : index
    %get3A_123 = arith.constant 0 : index
    %get3A_124 = arith.constant 0 : index
    %get3A_125 = vector.load %arg1[%get3A_122, %get3A_123, %get3A_124] : memref<8x64x1024xf32, #tpu.memory_space<vmem>>, vector<8x64x1024xf32>
    %slice3A_126 = vector.extract_strided_slice %get3A_125 {offsets = [2, 0, 0], sizes = [1, 64, 1024], strides = [1, 1, 1]} : vector<8x64x1024xf32> to vector<1x64x1024xf32>
    %squeeze3A_127 = vector.shape_cast %slice3A_126 : vector<1x64x1024xf32> to vector<64x1024xf32>
    %mul3A_128 = arith.mulf %squeeze3A_127, %squeeze3A_127 : vector<64x1024xf32>
    %slice3A_129 = vector.extract_strided_slice %mul3A_128 {offsets = [0, 0], sizes = [32, 1024], strides = [1, 1]} : vector<64x1024xf32> to vector<32x1024xf32>
    %slice3A_130 = vector.extract_strided_slice %mul3A_128 {offsets = [32, 0], sizes = [32, 1024], strides = [1, 1]} : vector<64x1024xf32> to vector<32x1024xf32>
    %add3A_131 = arith.addf %slice3A_129, %slice3A_130 : vector<32x1024xf32>
    %slice3A_132 = vector.extract_strided_slice %add3A_131 {offsets = [0, 0], sizes = [16, 1024], strides = [1, 1]} : vector<32x1024xf32> to vector<16x1024xf32>
    %slice3A_133 = vector.extract_strided_slice %add3A_131 {offsets = [16, 0], sizes = [16, 1024], strides = [1, 1]} : vector<32x1024xf32> to vector<16x1024xf32>
    %add3A_134 = arith.addf %slice3A_132, %slice3A_133 : vector<16x1024xf32>
    %slice3A_135 = vector.extract_strided_slice %add3A_134 {offsets = [0, 0], sizes = [8, 1024], strides = [1, 1]} : vector<16x1024xf32> to vector<8x1024xf32>
    %slice3A_136 = vector.extract_strided_slice %add3A_134 {offsets = [8, 0], sizes = [8, 1024], strides = [1, 1]} : vector<16x1024xf32> to vector<8x1024xf32>
    %add3A_137 = arith.addf %slice3A_135, %slice3A_136 : vector<8x1024xf32>
    %slice3A_138 = vector.extract_strided_slice %add3A_137 {offsets = [0, 0], sizes = [4, 1024], strides = [1, 1]} : vector<8x1024xf32> to vector<4x1024xf32>
    %slice3A_139 = vector.extract_strided_slice %add3A_137 {offsets = [4, 0], sizes = [4, 1024], strides = [1, 1]} : vector<8x1024xf32> to vector<4x1024xf32>
    %add3A_140 = arith.addf %slice3A_138, %slice3A_139 : vector<4x1024xf32>
    %slice3A_141 = vector.extract_strided_slice %add3A_140 {offsets = [0, 0], sizes = [2, 1024], strides = [1, 1]} : vector<4x1024xf32> to vector<2x1024xf32>
    %slice3A_142 = vector.extract_strided_slice %add3A_140 {offsets = [2, 0], sizes = [2, 1024], strides = [1, 1]} : vector<4x1024xf32> to vector<2x1024xf32>
    %add3A_143 = arith.addf %slice3A_141, %slice3A_142 : vector<2x1024xf32>
    %slice3A_144 = vector.extract_strided_slice %add3A_143 {offsets = [0, 0], sizes = [1, 1024], strides = [1, 1]} : vector<2x1024xf32> to vector<1x1024xf32>
    %slice3A_145 = vector.extract_strided_slice %add3A_143 {offsets = [1, 0], sizes = [1, 1024], strides = [1, 1]} : vector<2x1024xf32> to vector<1x1024xf32>
    %add3A_146 = arith.addf %slice3A_144, %slice3A_145 : vector<1x1024xf32>
    %get3A_147 = arith.constant 0 : index
    %get3A_148 = arith.constant 0 : index
    %get3A_149 = vector.load %arg7[%get3A_147, %get3A_148] : memref<64x512xf32, #tpu.memory_space<vmem>>, vector<64x512xf32>
    %dot_general3A_150 = arith.constant dense<0.000000e+00> : vector<512x1024xf32>
    %dot_general3A_151 = tpu.matmul %get3A_149, %squeeze3A_127, %dot_general3A_150 {dimension_numbers = #tpu.dot_dimension_numbers<[0], [0], [1], [1], [0, 1, 1, 1], [], []>, transpose_lhs_hint = false} : vector<64x512xf32>, vector<64x1024xf32>, vector<512x1024xf32> -> vector<512x1024xf32>
    %get3A_152 = arith.constant 0 : index
    %get3A_153 = arith.constant 0 : index
    %get3A_154 = vector.load %arg6[%get3A_152, %get3A_153] : memref<512x1xf32, #tpu.memory_space<vmem>>, vector<512x1xf32>
    %add3A_155 = vector.broadcast %add3A_146 : vector<1x1024xf32> to vector<512x1024xf32>
    %add3A_156 = vector.broadcast %get3A_154 : vector<512x1xf32> to vector<512x1024xf32>
    %add3A_157 = arith.addf %add3A_155, %add3A_156 : vector<512x1024xf32>
    %add3A_158 = arith.addf %add3A_157, %dot_general3A_151 : vector<512x1024xf32>
    %reduce_min3A_159 = arith.constant dense<0x7F800000> : vector<1024xf32>
    %reduce_min3A_160 = vector.multi_reduction <minimumf>, %add3A_158, %reduce_min3A_159 [0] : vector<512x1024xf32> to vector<1024xf32>
    %broadcast_in_dim3A_161 = vector.shape_cast %reduce_min3A_160 : vector<1024xf32> to vector<1x1024xf32>
    %iota3A_162 = tpu.iota {dimensions = array<i32: 0>} : vector<512x1024xi32>
    %eq3A_163 = vector.broadcast %broadcast_in_dim3A_161 : vector<1x1024xf32> to vector<512x1024xf32>
    %eq3A_164 = arith.cmpf oeq, %add3A_158, %eq3A_163 : vector<512x1024xf32>
    %jit3A_165 = arith.constant 512 : i32
    %broadcast_in_dim3A_166 = vector.broadcast %jit3A_165 : i32 to vector<512x1024xi32>
    %select_n3A_167 = arith.select %eq3A_164, %iota3A_162, %broadcast_in_dim3A_166 : vector<512x1024xi1>, vector<512x1024xi32>
    %reduce_min3A_168 = arith.constant dense<2147483647> : vector<1024xi32>
    %reduce_min3A_169 = vector.multi_reduction <minsi>, %select_n3A_167, %reduce_min3A_168 [0] : vector<512x1024xi32> to vector<1024xi32>
    %broadcast_in_dim3A_170 = vector.shape_cast %reduce_min3A_169 : vector<1024xi32> to vector<1x1024xi32>
    %eq3A_171 = vector.broadcast %broadcast_in_dim3A_170 : vector<1x1024xi32> to vector<512x1024xi32>
    %eq3A_172 = arith.cmpi eq, %iota3A_162, %eq3A_171 : vector<512x1024xi32>
    %convert_element_type3A_173 = arith.extui %eq3A_172 : vector<512x1024xi1> to vector<512x1024xi32>
    %convert_element_type3A_174 = arith.sitofp %convert_element_type3A_173 : vector<512x1024xi32> to vector<512x1024xf32>
    %rem3A_175 = arith.constant 1 : i32
    %rem3A_176 = arith.remsi %arg0, %rem3A_175 : i32
    %mul3A_177 = arith.constant 8 : i32
    %mul3A_178 = arith.muli %rem3A_176, %mul3A_177 : i32
    %add3A_179 = arith.constant 2 : i32
    %add3A_180 = arith.addi %mul3A_178, %add3A_179 : i32
    %swap3A_181 = arith.index_cast %add3A_180 : i32 to index
    %swap3A_182 = arith.constant 0 : index
    %swap3A_183 = vector.load %arg3[%swap3A_181, %swap3A_182] : memref<8x1024xi32, #tpu.memory_space<vmem>>, vector<1x1024xi32>
    tpu.vector_store %arg3[%swap3A_181, %swap3A_182], %broadcast_in_dim3A_170 {strides = array<i32>} : memref<8x1024xi32, #tpu.memory_space<vmem>>, vector<1x1024xi32>,
    %broadcast_in_dim3A_184 = arith.constant 1.000000e+00 : f32
    %broadcast_in_dim3A_185 = vector.broadcast %broadcast_in_dim3A_184 : f32 to vector<1024x1xf32>
    %dot_general3A_186 = arith.constant dense<0.000000e+00> : vector<512x1xf32>
    %dot_general3A_187 = tpu.matmul %convert_element_type3A_174, %broadcast_in_dim3A_185, %dot_general3A_186 {dimension_numbers = #tpu.dot_dimension_numbers<[1], [0], [0], [1], [0, 0, 1, 1], [], []>, transpose_lhs_hint = false} : vector<512x1024xf32>, vector<1024x1xf32>, vector<512x1xf32> -> vector<512x1xf32>
    %add3A_188 = arith.addf %add3A_121, %dot_general3A_187 : vector<512x1xf32>
    %get3A_189 = arith.constant 0 : index
    %get3A_190 = arith.constant 0 : index
    %get3A_191 = arith.constant 0 : index
    %get3A_192 = vector.load %arg1[%get3A_189, %get3A_190, %get3A_191] : memref<8x64x1024xf32, #tpu.memory_space<vmem>>, vector<8x64x1024xf32>
    %slice3A_193 = vector.extract_strided_slice %get3A_192 {offsets = [3, 0, 0], sizes = [1, 64, 1024], strides = [1, 1, 1]} : vector<8x64x1024xf32> to vector<1x64x1024xf32>
    %squeeze3A_194 = vector.shape_cast %slice3A_193 : vector<1x64x1024xf32> to vector<64x1024xf32>
    %mul3A_195 = arith.mulf %squeeze3A_194, %squeeze3A_194 : vector<64x1024xf32>
    %slice3A_196 = vector.extract_strided_slice %mul3A_195 {offsets = [0, 0], sizes = [32, 1024], strides = [1, 1]} : vector<64x1024xf32> to vector<32x1024xf32>
    %slice3A_197 = vector.extract_strided_slice %mul3A_195 {offsets = [32, 0], sizes = [32, 1024], strides = [1, 1]} : vector<64x1024xf32> to vector<32x1024xf32>
    %add3A_198 = arith.addf %slice3A_196, %slice3A_197 : vector<32x1024xf32>
    %slice3A_199 = vector.extract_strided_slice %add3A_198 {offsets = [0, 0], sizes = [16, 1024], strides = [1, 1]} : vector<32x1024xf32> to vector<16x1024xf32>
    %slice3A_200 = vector.extract_strided_slice %add3A_198 {offsets = [16, 0], sizes = [16, 1024], strides = [1, 1]} : vector<32x1024xf32> to vector<16x1024xf32>
    %add3A_201 = arith.addf %slice3A_199, %slice3A_200 : vector<16x1024xf32>
    %slice3A_202 = vector.extract_strided_slice %add3A_201 {offsets = [0, 0], sizes = [8, 1024], strides = [1, 1]} : vector<16x1024xf32> to vector<8x1024xf32>
    %slice3A_203 = vector.extract_strided_slice %add3A_201 {offsets = [8, 0], sizes = [8, 1024], strides = [1, 1]} : vector<16x1024xf32> to vector<8x1024xf32>
    %add3A_204 = arith.addf %slice3A_202, %slice3A_203 : vector<8x1024xf32>
    %slice3A_205 = vector.extract_strided_slice %add3A_204 {offsets = [0, 0], sizes = [4, 1024], strides = [1, 1]} : vector<8x1024xf32> to vector<4x1024xf32>
    %slice3A_206 = vector.extract_strided_slice %add3A_204 {offsets = [4, 0], sizes = [4, 1024], strides = [1, 1]} : vector<8x1024xf32> to vector<4x1024xf32>
    %add3A_207 = arith.addf %slice3A_205, %slice3A_206 : vector<4x1024xf32>
    %slice3A_208 = vector.extract_strided_slice %add3A_207 {offsets = [0, 0], sizes = [2, 1024], strides = [1, 1]} : vector<4x1024xf32> to vector<2x1024xf32>
    %slice3A_209 = vector.extract_strided_slice %add3A_207 {offsets = [2, 0], sizes = [2, 1024], strides = [1, 1]} : vector<4x1024xf32> to vector<2x1024xf32>
    %add3A_210 = arith.addf %slice3A_208, %slice3A_209 : vector<2x1024xf32>
    %slice3A_211 = vector.extract_strided_slice %add3A_210 {offsets = [0, 0], sizes = [1, 1024], strides = [1, 1]} : vector<2x1024xf32> to vector<1x1024xf32>
    %slice3A_212 = vector.extract_strided_slice %add3A_210 {offsets = [1, 0], sizes = [1, 1024], strides = [1, 1]} : vector<2x1024xf32> to vector<1x1024xf32>
    %add3A_213 = arith.addf %slice3A_211, %slice3A_212 : vector<1x1024xf32>
    %get3A_214 = arith.constant 0 : index
    %get3A_215 = arith.constant 0 : index
    %get3A_216 = vector.load %arg7[%get3A_214, %get3A_215] : memref<64x512xf32, #tpu.memory_space<vmem>>, vector<64x512xf32>
    %dot_general3A_217 = arith.constant dense<0.000000e+00> : vector<512x1024xf32>
    %dot_general3A_218 = tpu.matmul %get3A_216, %squeeze3A_194, %dot_general3A_217 {dimension_numbers = #tpu.dot_dimension_numbers<[0], [0], [1], [1], [0, 1, 1, 1], [], []>, transpose_lhs_hint = false} : vector<64x512xf32>, vector<64x1024xf32>, vector<512x1024xf32> -> vector<512x1024xf32>
    %get3A_219 = arith.constant 0 : index
    %get3A_220 = arith.constant 0 : index
    %get3A_221 = vector.load %arg6[%get3A_219, %get3A_220] : memref<512x1xf32, #tpu.memory_space<vmem>>, vector<512x1xf32>
    %add3A_222 = vector.broadcast %add3A_213 : vector<1x1024xf32> to vector<512x1024xf32>
    %add3A_223 = vector.broadcast %get3A_221 : vector<512x1xf32> to vector<512x1024xf32>
    %add3A_224 = arith.addf %add3A_222, %add3A_223 : vector<512x1024xf32>
    %add3A_225 = arith.addf %add3A_224, %dot_general3A_218 : vector<512x1024xf32>
    %reduce_min3A_226 = arith.constant dense<0x7F800000> : vector<1024xf32>
    %reduce_min3A_227 = vector.multi_reduction <minimumf>, %add3A_225, %reduce_min3A_226 [0] : vector<512x1024xf32> to vector<1024xf32>
    %broadcast_in_dim3A_228 = vector.shape_cast %reduce_min3A_227 : vector<1024xf32> to vector<1x1024xf32>
    %iota3A_229 = tpu.iota {dimensions = array<i32: 0>} : vector<512x1024xi32>
    %eq3A_230 = vector.broadcast %broadcast_in_dim3A_228 : vector<1x1024xf32> to vector<512x1024xf32>
    %eq3A_231 = arith.cmpf oeq, %add3A_225, %eq3A_230 : vector<512x1024xf32>
    %jit3A_232 = arith.constant 512 : i32
    %broadcast_in_dim3A_233 = vector.broadcast %jit3A_232 : i32 to vector<512x1024xi32>
    %select_n3A_234 = arith.select %eq3A_231, %iota3A_229, %broadcast_in_dim3A_233 : vector<512x1024xi1>, vector<512x1024xi32>
    %reduce_min3A_235 = arith.constant dense<2147483647> : vector<1024xi32>
    %reduce_min3A_236 = vector.multi_reduction <minsi>, %select_n3A_234, %reduce_min3A_235 [0] : vector<512x1024xi32> to vector<1024xi32>
    %broadcast_in_dim3A_237 = vector.shape_cast %reduce_min3A_236 : vector<1024xi32> to vector<1x1024xi32>
    %eq3A_238 = vector.broadcast %broadcast_in_dim3A_237 : vector<1x1024xi32> to vector<512x1024xi32>
    %eq3A_239 = arith.cmpi eq, %iota3A_229, %eq3A_238 : vector<512x1024xi32>
    %convert_element_type3A_240 = arith.extui %eq3A_239 : vector<512x1024xi1> to vector<512x1024xi32>
    %convert_element_type3A_241 = arith.sitofp %convert_element_type3A_240 : vector<512x1024xi32> to vector<512x1024xf32>
    %rem3A_242 = arith.constant 1 : i32
    %rem3A_243 = arith.remsi %arg0, %rem3A_242 : i32
    %mul3A_244 = arith.constant 8 : i32
    %mul3A_245 = arith.muli %rem3A_243, %mul3A_244 : i32
    %add3A_246 = arith.constant 3 : i32
    %add3A_247 = arith.addi %mul3A_245, %add3A_246 : i32
    %swap3A_248 = arith.index_cast %add3A_247 : i32 to index
    %swap3A_249 = arith.constant 0 : index
    %swap3A_250 = vector.load %arg3[%swap3A_248, %swap3A_249] : memref<8x1024xi32, #tpu.memory_space<vmem>>, vector<1x1024xi32>
    tpu.vector_store %arg3[%swap3A_248, %swap3A_249], %broadcast_in_dim3A_237 {strides = array<i32>} : memref<8x1024xi32, #tpu.memory_space<vmem>>, vector<1x1024xi32>,
    %broadcast_in_dim3A_251 = arith.constant 1.000000e+00 : f32
    %broadcast_in_dim3A_252 = vector.broadcast %broadcast_in_dim3A_251 : f32 to vector<1024x1xf32>
    %dot_general3A_253 = arith.constant dense<0.000000e+00> : vector<512x1xf32>
    %dot_general3A_254 = tpu.matmul %convert_element_type3A_241, %broadcast_in_dim3A_252, %dot_general3A_253 {dimension_numbers = #tpu.dot_dimension_numbers<[1], [0], [0], [1], [0, 0, 1, 1], [], []>, transpose_lhs_hint = false} : vector<512x1024xf32>, vector<1024x1xf32>, vector<512x1xf32> -> vector<512x1xf32>
    %add3A_255 = arith.addf %add3A_188, %dot_general3A_254 : vector<512x1xf32>
    %get3A_256 = arith.constant 0 : index
    %get3A_257 = arith.constant 0 : index
    %get3A_258 = arith.constant 0 : index
    %get3A_259 = vector.load %arg1[%get3A_256, %get3A_257, %get3A_258] : memref<8x64x1024xf32, #tpu.memory_space<vmem>>, vector<8x64x1024xf32>
    %slice3A_260 = vector.extract_strided_slice %get3A_259 {offsets = [4, 0, 0], sizes = [1, 64, 1024], strides = [1, 1, 1]} : vector<8x64x1024xf32> to vector<1x64x1024xf32>
    %squeeze3A_261 = vector.shape_cast %slice3A_260 : vector<1x64x1024xf32> to vector<64x1024xf32>
    %mul3A_262 = arith.mulf %squeeze3A_261, %squeeze3A_261 : vector<64x1024xf32>
    %slice3A_263 = vector.extract_strided_slice %mul3A_262 {offsets = [0, 0], sizes = [32, 1024], strides = [1, 1]} : vector<64x1024xf32> to vector<32x1024xf32>
    %slice3A_264 = vector.extract_strided_slice %mul3A_262 {offsets = [32, 0], sizes = [32, 1024], strides = [1, 1]} : vector<64x1024xf32> to vector<32x1024xf32>
    %add3A_265 = arith.addf %slice3A_263, %slice3A_264 : vector<32x1024xf32>
    %slice3A_266 = vector.extract_strided_slice %add3A_265 {offsets = [0, 0], sizes = [16, 1024], strides = [1, 1]} : vector<32x1024xf32> to vector<16x1024xf32>
    %slice3A_267 = vector.extract_strided_slice %add3A_265 {offsets = [16, 0], sizes = [16, 1024], strides = [1, 1]} : vector<32x1024xf32> to vector<16x1024xf32>
    %add3A_268 = arith.addf %slice3A_266, %slice3A_267 : vector<16x1024xf32>
    %slice3A_269 = vector.extract_strided_slice %add3A_268 {offsets = [0, 0], sizes = [8, 1024], strides = [1, 1]} : vector<16x1024xf32> to vector<8x1024xf32>
    %slice3A_270 = vector.extract_strided_slice %add3A_268 {offsets = [8, 0], sizes = [8, 1024], strides = [1, 1]} : vector<16x1024xf32> to vector<8x1024xf32>
    %add3A_271 = arith.addf %slice3A_269, %slice3A_270 : vector<8x1024xf32>
    %slice3A_272 = vector.extract_strided_slice %add3A_271 {offsets = [0, 0], sizes = [4, 1024], strides = [1, 1]} : vector<8x1024xf32> to vector<4x1024xf32>
    %slice3A_273 = vector.extract_strided_slice %add3A_271 {offsets = [4, 0], sizes = [4, 1024], strides = [1, 1]} : vector<8x1024xf32> to vector<4x1024xf32>
    %add3A_274 = arith.addf %slice3A_272, %slice3A_273 : vector<4x1024xf32>
    %slice3A_275 = vector.extract_strided_slice %add3A_274 {offsets = [0, 0], sizes = [2, 1024], strides = [1, 1]} : vector<4x1024xf32> to vector<2x1024xf32>
    %slice3A_276 = vector.extract_strided_slice %add3A_274 {offsets = [2, 0], sizes = [2, 1024], strides = [1, 1]} : vector<4x1024xf32> to vector<2x1024xf32>
    %add3A_277 = arith.addf %slice3A_275, %slice3A_276 : vector<2x1024xf32>
    %slice3A_278 = vector.extract_strided_slice %add3A_277 {offsets = [0, 0], sizes = [1, 1024], strides = [1, 1]} : vector<2x1024xf32> to vector<1x1024xf32>
    %slice3A_279 = vector.extract_strided_slice %add3A_277 {offsets = [1, 0], sizes = [1, 1024], strides = [1, 1]} : vector<2x1024xf32> to vector<1x1024xf32>
    %add3A_280 = arith.addf %slice3A_278, %slice3A_279 : vector<1x1024xf32>
    %get3A_281 = arith.constant 0 : index
    %get3A_282 = arith.constant 0 : index
    %get3A_283 = vector.load %arg7[%get3A_281, %get3A_282] : memref<64x512xf32, #tpu.memory_space<vmem>>, vector<64x512xf32>
    %dot_general3A_284 = arith.constant dense<0.000000e+00> : vector<512x1024xf32>
    %dot_general3A_285 = tpu.matmul %get3A_283, %squeeze3A_261, %dot_general3A_284 {dimension_numbers = #tpu.dot_dimension_numbers<[0], [0], [1], [1], [0, 1, 1, 1], [], []>, transpose_lhs_hint = false} : vector<64x512xf32>, vector<64x1024xf32>, vector<512x1024xf32> -> vector<512x1024xf32>
    %get3A_286 = arith.constant 0 : index
    %get3A_287 = arith.constant 0 : index
    %get3A_288 = vector.load %arg6[%get3A_286, %get3A_287] : memref<512x1xf32, #tpu.memory_space<vmem>>, vector<512x1xf32>
    %add3A_289 = vector.broadcast %add3A_280 : vector<1x1024xf32> to vector<512x1024xf32>
    %add3A_290 = vector.broadcast %get3A_288 : vector<512x1xf32> to vector<512x1024xf32>
    %add3A_291 = arith.addf %add3A_289, %add3A_290 : vector<512x1024xf32>
    %add3A_292 = arith.addf %add3A_291, %dot_general3A_285 : vector<512x1024xf32>
    %reduce_min3A_293 = arith.constant dense<0x7F800000> : vector<1024xf32>
    %reduce_min3A_294 = vector.multi_reduction <minimumf>, %add3A_292, %reduce_min3A_293 [0] : vector<512x1024xf32> to vector<1024xf32>
    %broadcast_in_dim3A_295 = vector.shape_cast %reduce_min3A_294 : vector<1024xf32> to vector<1x1024xf32>
    %iota3A_296 = tpu.iota {dimensions = array<i32: 0>} : vector<512x1024xi32>
    %eq3A_297 = vector.broadcast %broadcast_in_dim3A_295 : vector<1x1024xf32> to vector<512x1024xf32>
    %eq3A_298 = arith.cmpf oeq, %add3A_292, %eq3A_297 : vector<512x1024xf32>
    %jit3A_299 = arith.constant 512 : i32
    %broadcast_in_dim3A_300 = vector.broadcast %jit3A_299 : i32 to vector<512x1024xi32>
    %select_n3A_301 = arith.select %eq3A_298, %iota3A_296, %broadcast_in_dim3A_300 : vector<512x1024xi1>, vector<512x1024xi32>
    %reduce_min3A_302 = arith.constant dense<2147483647> : vector<1024xi32>
    %reduce_min3A_303 = vector.multi_reduction <minsi>, %select_n3A_301, %reduce_min3A_302 [0] : vector<512x1024xi32> to vector<1024xi32>
    %broadcast_in_dim3A_304 = vector.shape_cast %reduce_min3A_303 : vector<1024xi32> to vector<1x1024xi32>
    %eq3A_305 = vector.broadcast %broadcast_in_dim3A_304 : vector<1x1024xi32> to vector<512x1024xi32>
    %eq3A_306 = arith.cmpi eq, %iota3A_296, %eq3A_305 : vector<512x1024xi32>
    %convert_element_type3A_307 = arith.extui %eq3A_306 : vector<512x1024xi1> to vector<512x1024xi32>
    %convert_element_type3A_308 = arith.sitofp %convert_element_type3A_307 : vector<512x1024xi32> to vector<512x1024xf32>
    %rem3A_309 = arith.constant 1 : i32
    %rem3A_310 = arith.remsi %arg0, %rem3A_309 : i32
    %mul3A_311 = arith.constant 8 : i32
    %mul3A_312 = arith.muli %rem3A_310, %mul3A_311 : i32
    %add3A_313 = arith.constant 4 : i32
    %add3A_314 = arith.addi %mul3A_312, %add3A_313 : i32
    %swap3A_315 = arith.index_cast %add3A_314 : i32 to index
    %swap3A_316 = arith.constant 0 : index
    %swap3A_317 = vector.load %arg3[%swap3A_315, %swap3A_316] : memref<8x1024xi32, #tpu.memory_space<vmem>>, vector<1x1024xi32>
    tpu.vector_store %arg3[%swap3A_315, %swap3A_316], %broadcast_in_dim3A_304 {strides = array<i32>} : memref<8x1024xi32, #tpu.memory_space<vmem>>, vector<1x1024xi32>,
    %broadcast_in_dim3A_318 = arith.constant 1.000000e+00 : f32
    %broadcast_in_dim3A_319 = vector.broadcast %broadcast_in_dim3A_318 : f32 to vector<1024x1xf32>
    %dot_general3A_320 = arith.constant dense<0.000000e+00> : vector<512x1xf32>
    %dot_general3A_321 = tpu.matmul %convert_element_type3A_308, %broadcast_in_dim3A_319, %dot_general3A_320 {dimension_numbers = #tpu.dot_dimension_numbers<[1], [0], [0], [1], [0, 0, 1, 1], [], []>, transpose_lhs_hint = false} : vector<512x1024xf32>, vector<1024x1xf32>, vector<512x1xf32> -> vector<512x1xf32>
    %add3A_322 = arith.addf %add3A_255, %dot_general3A_321 : vector<512x1xf32>
    %get3A_323 = arith.constant 0 : index
    %get3A_324 = arith.constant 0 : index
    %get3A_325 = arith.constant 0 : index
    %get3A_326 = vector.load %arg1[%get3A_323, %get3A_324, %get3A_325] : memref<8x64x1024xf32, #tpu.memory_space<vmem>>, vector<8x64x1024xf32>
    %slice3A_327 = vector.extract_strided_slice %get3A_326 {offsets = [5, 0, 0], sizes = [1, 64, 1024], strides = [1, 1, 1]} : vector<8x64x1024xf32> to vector<1x64x1024xf32>
    %squeeze3A_328 = vector.shape_cast %slice3A_327 : vector<1x64x1024xf32> to vector<64x1024xf32>
    %mul3A_329 = arith.mulf %squeeze3A_328, %squeeze3A_328 : vector<64x1024xf32>
    %slice3A_330 = vector.extract_strided_slice %mul3A_329 {offsets = [0, 0], sizes = [32, 1024], strides = [1, 1]} : vector<64x1024xf32> to vector<32x1024xf32>
    %slice3A_331 = vector.extract_strided_slice %mul3A_329 {offsets = [32, 0], sizes = [32, 1024], strides = [1, 1]} : vector<64x1024xf32> to vector<32x1024xf32>
    %add3A_332 = arith.addf %slice3A_330, %slice3A_331 : vector<32x1024xf32>
    %slice3A_333 = vector.extract_strided_slice %add3A_332 {offsets = [0, 0], sizes = [16, 1024], strides = [1, 1]} : vector<32x1024xf32> to vector<16x1024xf32>
    %slice3A_334 = vector.extract_strided_slice %add3A_332 {offsets = [16, 0], sizes = [16, 1024], strides = [1, 1]} : vector<32x1024xf32> to vector<16x1024xf32>
    %add3A_335 = arith.addf %slice3A_333, %slice3A_334 : vector<16x1024xf32>
    %slice3A_336 = vector.extract_strided_slice %add3A_335 {offsets = [0, 0], sizes = [8, 1024], strides = [1, 1]} : vector<16x1024xf32> to vector<8x1024xf32>
    %slice3A_337 = vector.extract_strided_slice %add3A_335 {offsets = [8, 0], sizes = [8, 1024], strides = [1, 1]} : vector<16x1024xf32> to vector<8x1024xf32>
    %add3A_338 = arith.addf %slice3A_336, %slice3A_337 : vector<8x1024xf32>
    %slice3A_339 = vector.extract_strided_slice %add3A_338 {offsets = [0, 0], sizes = [4, 1024], strides = [1, 1]} : vector<8x1024xf32> to vector<4x1024xf32>
    %slice3A_340 = vector.extract_strided_slice %add3A_338 {offsets = [4, 0], sizes = [4, 1024], strides = [1, 1]} : vector<8x1024xf32> to vector<4x1024xf32>
    %add3A_341 = arith.addf %slice3A_339, %slice3A_340 : vector<4x1024xf32>
    %slice3A_342 = vector.extract_strided_slice %add3A_341 {offsets = [0, 0], sizes = [2, 1024], strides = [1, 1]} : vector<4x1024xf32> to vector<2x1024xf32>
    %slice3A_343 = vector.extract_strided_slice %add3A_341 {offsets = [2, 0], sizes = [2, 1024], strides = [1, 1]} : vector<4x1024xf32> to vector<2x1024xf32>
    %add3A_344 = arith.addf %slice3A_342, %slice3A_343 : vector<2x1024xf32>
    %slice3A_345 = vector.extract_strided_slice %add3A_344 {offsets = [0, 0], sizes = [1, 1024], strides = [1, 1]} : vector<2x1024xf32> to vector<1x1024xf32>
    %slice3A_346 = vector.extract_strided_slice %add3A_344 {offsets = [1, 0], sizes = [1, 1024], strides = [1, 1]} : vector<2x1024xf32> to vector<1x1024xf32>
    %add3A_347 = arith.addf %slice3A_345, %slice3A_346 : vector<1x1024xf32>
    %get3A_348 = arith.constant 0 : index
    %get3A_349 = arith.constant 0 : index
    %get3A_350 = vector.load %arg7[%get3A_348, %get3A_349] : memref<64x512xf32, #tpu.memory_space<vmem>>, vector<64x512xf32>
    %dot_general3A_351 = arith.constant dense<0.000000e+00> : vector<512x1024xf32>
    %dot_general3A_352 = tpu.matmul %get3A_350, %squeeze3A_328, %dot_general3A_351 {dimension_numbers = #tpu.dot_dimension_numbers<[0], [0], [1], [1], [0, 1, 1, 1], [], []>, transpose_lhs_hint = false} : vector<64x512xf32>, vector<64x1024xf32>, vector<512x1024xf32> -> vector<512x1024xf32>
    %get3A_353 = arith.constant 0 : index
    %get3A_354 = arith.constant 0 : index
    %get3A_355 = vector.load %arg6[%get3A_353, %get3A_354] : memref<512x1xf32, #tpu.memory_space<vmem>>, vector<512x1xf32>
    %add3A_356 = vector.broadcast %add3A_347 : vector<1x1024xf32> to vector<512x1024xf32>
    %add3A_357 = vector.broadcast %get3A_355 : vector<512x1xf32> to vector<512x1024xf32>
    %add3A_358 = arith.addf %add3A_356, %add3A_357 : vector<512x1024xf32>
    %add3A_359 = arith.addf %add3A_358, %dot_general3A_352 : vector<512x1024xf32>
    %reduce_min3A_360 = arith.constant dense<0x7F800000> : vector<1024xf32>
    %reduce_min3A_361 = vector.multi_reduction <minimumf>, %add3A_359, %reduce_min3A_360 [0] : vector<512x1024xf32> to vector<1024xf32>
    %broadcast_in_dim3A_362 = vector.shape_cast %reduce_min3A_361 : vector<1024xf32> to vector<1x1024xf32>
    %iota3A_363 = tpu.iota {dimensions = array<i32: 0>} : vector<512x1024xi32>
    %eq3A_364 = vector.broadcast %broadcast_in_dim3A_362 : vector<1x1024xf32> to vector<512x1024xf32>
    %eq3A_365 = arith.cmpf oeq, %add3A_359, %eq3A_364 : vector<512x1024xf32>
    %jit3A_366 = arith.constant 512 : i32
    %broadcast_in_dim3A_367 = vector.broadcast %jit3A_366 : i32 to vector<512x1024xi32>
    %select_n3A_368 = arith.select %eq3A_365, %iota3A_363, %broadcast_in_dim3A_367 : vector<512x1024xi1>, vector<512x1024xi32>
    %reduce_min3A_369 = arith.constant dense<2147483647> : vector<1024xi32>
    %reduce_min3A_370 = vector.multi_reduction <minsi>, %select_n3A_368, %reduce_min3A_369 [0] : vector<512x1024xi32> to vector<1024xi32>
    %broadcast_in_dim3A_371 = vector.shape_cast %reduce_min3A_370 : vector<1024xi32> to vector<1x1024xi32>
    %eq3A_372 = vector.broadcast %broadcast_in_dim3A_371 : vector<1x1024xi32> to vector<512x1024xi32>
    %eq3A_373 = arith.cmpi eq, %iota3A_363, %eq3A_372 : vector<512x1024xi32>
    %convert_element_type3A_374 = arith.extui %eq3A_373 : vector<512x1024xi1> to vector<512x1024xi32>
    %convert_element_type3A_375 = arith.sitofp %convert_element_type3A_374 : vector<512x1024xi32> to vector<512x1024xf32>
    %rem3A_376 = arith.constant 1 : i32
    %rem3A_377 = arith.remsi %arg0, %rem3A_376 : i32
    %mul3A_378 = arith.constant 8 : i32
    %mul3A_379 = arith.muli %rem3A_377, %mul3A_378 : i32
    %add3A_380 = arith.constant 5 : i32
    %add3A_381 = arith.addi %mul3A_379, %add3A_380 : i32
    %swap3A_382 = arith.index_cast %add3A_381 : i32 to index
    %swap3A_383 = arith.constant 0 : index
    %swap3A_384 = vector.load %arg3[%swap3A_382, %swap3A_383] : memref<8x1024xi32, #tpu.memory_space<vmem>>, vector<1x1024xi32>
    tpu.vector_store %arg3[%swap3A_382, %swap3A_383], %broadcast_in_dim3A_371 {strides = array<i32>} : memref<8x1024xi32, #tpu.memory_space<vmem>>, vector<1x1024xi32>,
    %broadcast_in_dim3A_385 = arith.constant 1.000000e+00 : f32
    %broadcast_in_dim3A_386 = vector.broadcast %broadcast_in_dim3A_385 : f32 to vector<1024x1xf32>
    %dot_general3A_387 = arith.constant dense<0.000000e+00> : vector<512x1xf32>
    %dot_general3A_388 = tpu.matmul %convert_element_type3A_375, %broadcast_in_dim3A_386, %dot_general3A_387 {dimension_numbers = #tpu.dot_dimension_numbers<[1], [0], [0], [1], [0, 0, 1, 1], [], []>, transpose_lhs_hint = false} : vector<512x1024xf32>, vector<1024x1xf32>, vector<512x1xf32> -> vector<512x1xf32>
    %add3A_389 = arith.addf %add3A_322, %dot_general3A_388 : vector<512x1xf32>
    %get3A_390 = arith.constant 0 : index
    %get3A_391 = arith.constant 0 : index
    %get3A_392 = arith.constant 0 : index
    %get3A_393 = vector.load %arg1[%get3A_390, %get3A_391, %get3A_392] : memref<8x64x1024xf32, #tpu.memory_space<vmem>>, vector<8x64x1024xf32>
    %slice3A_394 = vector.extract_strided_slice %get3A_393 {offsets = [6, 0, 0], sizes = [1, 64, 1024], strides = [1, 1, 1]} : vector<8x64x1024xf32> to vector<1x64x1024xf32>
    %squeeze3A_395 = vector.shape_cast %slice3A_394 : vector<1x64x1024xf32> to vector<64x1024xf32>
    %mul3A_396 = arith.mulf %squeeze3A_395, %squeeze3A_395 : vector<64x1024xf32>
    %slice3A_397 = vector.extract_strided_slice %mul3A_396 {offsets = [0, 0], sizes = [32, 1024], strides = [1, 1]} : vector<64x1024xf32> to vector<32x1024xf32>
    %slice3A_398 = vector.extract_strided_slice %mul3A_396 {offsets = [32, 0], sizes = [32, 1024], strides = [1, 1]} : vector<64x1024xf32> to vector<32x1024xf32>
    %add3A_399 = arith.addf %slice3A_397, %slice3A_398 : vector<32x1024xf32>
    %slice3A_400 = vector.extract_strided_slice %add3A_399 {offsets = [0, 0], sizes = [16, 1024], strides = [1, 1]} : vector<32x1024xf32> to vector<16x1024xf32>
    %slice3A_401 = vector.extract_strided_slice %add3A_399 {offsets = [16, 0], sizes = [16, 1024], strides = [1, 1]} : vector<32x1024xf32> to vector<16x1024xf32>
    %add3A_402 = arith.addf %slice3A_400, %slice3A_401 : vector<16x1024xf32>
    %slice3A_403 = vector.extract_strided_slice %add3A_402 {offsets = [0, 0], sizes = [8, 1024], strides = [1, 1]} : vector<16x1024xf32> to vector<8x1024xf32>
    %slice3A_404 = vector.extract_strided_slice %add3A_402 {offsets = [8, 0], sizes = [8, 1024], strides = [1, 1]} : vector<16x1024xf32> to vector<8x1024xf32>
    %add3A_405 = arith.addf %slice3A_403, %slice3A_404 : vector<8x1024xf32>
    %slice3A_406 = vector.extract_strided_slice %add3A_405 {offsets = [0, 0], sizes = [4, 1024], strides = [1, 1]} : vector<8x1024xf32> to vector<4x1024xf32>
    %slice3A_407 = vector.extract_strided_slice %add3A_405 {offsets = [4, 0], sizes = [4, 1024], strides = [1, 1]} : vector<8x1024xf32> to vector<4x1024xf32>
    %add3A_408 = arith.addf %slice3A_406, %slice3A_407 : vector<4x1024xf32>
    %slice3A_409 = vector.extract_strided_slice %add3A_408 {offsets = [0, 0], sizes = [2, 1024], strides = [1, 1]} : vector<4x1024xf32> to vector<2x1024xf32>
    %slice3A_410 = vector.extract_strided_slice %add3A_408 {offsets = [2, 0], sizes = [2, 1024], strides = [1, 1]} : vector<4x1024xf32> to vector<2x1024xf32>
    %add3A_411 = arith.addf %slice3A_409, %slice3A_410 : vector<2x1024xf32>
    %slice3A_412 = vector.extract_strided_slice %add3A_411 {offsets = [0, 0], sizes = [1, 1024], strides = [1, 1]} : vector<2x1024xf32> to vector<1x1024xf32>
    %slice3A_413 = vector.extract_strided_slice %add3A_411 {offsets = [1, 0], sizes = [1, 1024], strides = [1, 1]} : vector<2x1024xf32> to vector<1x1024xf32>
    %add3A_414 = arith.addf %slice3A_412, %slice3A_413 : vector<1x1024xf32>
    %get3A_415 = arith.constant 0 : index
    %get3A_416 = arith.constant 0 : index
    %get3A_417 = vector.load %arg7[%get3A_415, %get3A_416] : memref<64x512xf32, #tpu.memory_space<vmem>>, vector<64x512xf32>
    %dot_general3A_418 = arith.constant dense<0.000000e+00> : vector<512x1024xf32>
    %dot_general3A_419 = tpu.matmul %get3A_417, %squeeze3A_395, %dot_general3A_418 {dimension_numbers = #tpu.dot_dimension_numbers<[0], [0], [1], [1], [0, 1, 1, 1], [], []>, transpose_lhs_hint = false} : vector<64x512xf32>, vector<64x1024xf32>, vector<512x1024xf32> -> vector<512x1024xf32>
    %get3A_420 = arith.constant 0 : index
    %get3A_421 = arith.constant 0 : index
    %get3A_422 = vector.load %arg6[%get3A_420, %get3A_421] : memref<512x1xf32, #tpu.memory_space<vmem>>, vector<512x1xf32>
    %add3A_423 = vector.broadcast %add3A_414 : vector<1x1024xf32> to vector<512x1024xf32>
    %add3A_424 = vector.broadcast %get3A_422 : vector<512x1xf32> to vector<512x1024xf32>
    %add3A_425 = arith.addf %add3A_423, %add3A_424 : vector<512x1024xf32>
    %add3A_426 = arith.addf %add3A_425, %dot_general3A_419 : vector<512x1024xf32>
    %reduce_min3A_427 = arith.constant dense<0x7F800000> : vector<1024xf32>
    %reduce_min3A_428 = vector.multi_reduction <minimumf>, %add3A_426, %reduce_min3A_427 [0] : vector<512x1024xf32> to vector<1024xf32>
    %broadcast_in_dim3A_429 = vector.shape_cast %reduce_min3A_428 : vector<1024xf32> to vector<1x1024xf32>
    %iota3A_430 = tpu.iota {dimensions = array<i32: 0>} : vector<512x1024xi32>
    %eq3A_431 = vector.broadcast %broadcast_in_dim3A_429 : vector<1x1024xf32> to vector<512x1024xf32>
    %eq3A_432 = arith.cmpf oeq, %add3A_426, %eq3A_431 : vector<512x1024xf32>
    %jit3A_433 = arith.constant 512 : i32
    %broadcast_in_dim3A_434 = vector.broadcast %jit3A_433 : i32 to vector<512x1024xi32>
    %select_n3A_435 = arith.select %eq3A_432, %iota3A_430, %broadcast_in_dim3A_434 : vector<512x1024xi1>, vector<512x1024xi32>
    %reduce_min3A_436 = arith.constant dense<2147483647> : vector<1024xi32>
    %reduce_min3A_437 = vector.multi_reduction <minsi>, %select_n3A_435, %reduce_min3A_436 [0] : vector<512x1024xi32> to vector<1024xi32>
    %broadcast_in_dim3A_438 = vector.shape_cast %reduce_min3A_437 : vector<1024xi32> to vector<1x1024xi32>
    %eq3A_439 = vector.broadcast %broadcast_in_dim3A_438 : vector<1x1024xi32> to vector<512x1024xi32>
    %eq3A_440 = arith.cmpi eq, %iota3A_430, %eq3A_439 : vector<512x1024xi32>
    %convert_element_type3A_441 = arith.extui %eq3A_440 : vector<512x1024xi1> to vector<512x1024xi32>
    %convert_element_type3A_442 = arith.sitofp %convert_element_type3A_441 : vector<512x1024xi32> to vector<512x1024xf32>
    %rem3A_443 = arith.constant 1 : i32
    %rem3A_444 = arith.remsi %arg0, %rem3A_443 : i32
    %mul3A_445 = arith.constant 8 : i32
    %mul3A_446 = arith.muli %rem3A_444, %mul3A_445 : i32
    %add3A_447 = arith.constant 6 : i32
    %add3A_448 = arith.addi %mul3A_446, %add3A_447 : i32
    %swap3A_449 = arith.index_cast %add3A_448 : i32 to index
    %swap3A_450 = arith.constant 0 : index
    %swap3A_451 = vector.load %arg3[%swap3A_449, %swap3A_450] : memref<8x1024xi32, #tpu.memory_space<vmem>>, vector<1x1024xi32>
    tpu.vector_store %arg3[%swap3A_449, %swap3A_450], %broadcast_in_dim3A_438 {strides = array<i32>} : memref<8x1024xi32, #tpu.memory_space<vmem>>, vector<1x1024xi32>,
    %broadcast_in_dim3A_452 = arith.constant 1.000000e+00 : f32
    %broadcast_in_dim3A_453 = vector.broadcast %broadcast_in_dim3A_452 : f32 to vector<1024x1xf32>
    %dot_general3A_454 = arith.constant dense<0.000000e+00> : vector<512x1xf32>
    %dot_general3A_455 = tpu.matmul %convert_element_type3A_442, %broadcast_in_dim3A_453, %dot_general3A_454 {dimension_numbers = #tpu.dot_dimension_numbers<[1], [0], [0], [1], [0, 0, 1, 1], [], []>, transpose_lhs_hint = false} : vector<512x1024xf32>, vector<1024x1xf32>, vector<512x1xf32> -> vector<512x1xf32>
    %add3A_456 = arith.addf %add3A_389, %dot_general3A_455 : vector<512x1xf32>
    %get3A_457 = arith.constant 0 : index
    %get3A_458 = arith.constant 0 : index
    %get3A_459 = arith.constant 0 : index
    %get3A_460 = vector.load %arg1[%get3A_457, %get3A_458, %get3A_459] : memref<8x64x1024xf32, #tpu.memory_space<vmem>>, vector<8x64x1024xf32>
    %slice3A_461 = vector.extract_strided_slice %get3A_460 {offsets = [7, 0, 0], sizes = [1, 64, 1024], strides = [1, 1, 1]} : vector<8x64x1024xf32> to vector<1x64x1024xf32>
    %squeeze3A_462 = vector.shape_cast %slice3A_461 : vector<1x64x1024xf32> to vector<64x1024xf32>
    %mul3A_463 = arith.mulf %squeeze3A_462, %squeeze3A_462 : vector<64x1024xf32>
    %slice3A_464 = vector.extract_strided_slice %mul3A_463 {offsets = [0, 0], sizes = [32, 1024], strides = [1, 1]} : vector<64x1024xf32> to vector<32x1024xf32>
    %slice3A_465 = vector.extract_strided_slice %mul3A_463 {offsets = [32, 0], sizes = [32, 1024], strides = [1, 1]} : vector<64x1024xf32> to vector<32x1024xf32>
    %add3A_466 = arith.addf %slice3A_464, %slice3A_465 : vector<32x1024xf32>
    %slice3A_467 = vector.extract_strided_slice %add3A_466 {offsets = [0, 0], sizes = [16, 1024], strides = [1, 1]} : vector<32x1024xf32> to vector<16x1024xf32>
    %slice3A_468 = vector.extract_strided_slice %add3A_466 {offsets = [16, 0], sizes = [16, 1024], strides = [1, 1]} : vector<32x1024xf32> to vector<16x1024xf32>
    %add3A_469 = arith.addf %slice3A_467, %slice3A_468 : vector<16x1024xf32>
    %slice3A_470 = vector.extract_strided_slice %add3A_469 {offsets = [0, 0], sizes = [8, 1024], strides = [1, 1]} : vector<16x1024xf32> to vector<8x1024xf32>
    %slice3A_471 = vector.extract_strided_slice %add3A_469 {offsets = [8, 0], sizes = [8, 1024], strides = [1, 1]} : vector<16x1024xf32> to vector<8x1024xf32>
    %add3A_472 = arith.addf %slice3A_470, %slice3A_471 : vector<8x1024xf32>
    %slice3A_473 = vector.extract_strided_slice %add3A_472 {offsets = [0, 0], sizes = [4, 1024], strides = [1, 1]} : vector<8x1024xf32> to vector<4x1024xf32>
    %slice3A_474 = vector.extract_strided_slice %add3A_472 {offsets = [4, 0], sizes = [4, 1024], strides = [1, 1]} : vector<8x1024xf32> to vector<4x1024xf32>
    %add3A_475 = arith.addf %slice3A_473, %slice3A_474 : vector<4x1024xf32>
    %slice3A_476 = vector.extract_strided_slice %add3A_475 {offsets = [0, 0], sizes = [2, 1024], strides = [1, 1]} : vector<4x1024xf32> to vector<2x1024xf32>
    %slice3A_477 = vector.extract_strided_slice %add3A_475 {offsets = [2, 0], sizes = [2, 1024], strides = [1, 1]} : vector<4x1024xf32> to vector<2x1024xf32>
    %add3A_478 = arith.addf %slice3A_476, %slice3A_477 : vector<2x1024xf32>
    %slice3A_479 = vector.extract_strided_slice %add3A_478 {offsets = [0, 0], sizes = [1, 1024], strides = [1, 1]} : vector<2x1024xf32> to vector<1x1024xf32>
    %slice3A_480 = vector.extract_strided_slice %add3A_478 {offsets = [1, 0], sizes = [1, 1024], strides = [1, 1]} : vector<2x1024xf32> to vector<1x1024xf32>
    %add3A_481 = arith.addf %slice3A_479, %slice3A_480 : vector<1x1024xf32>
    %get3A_482 = arith.constant 0 : index
    %get3A_483 = arith.constant 0 : index
    %get3A_484 = vector.load %arg7[%get3A_482, %get3A_483] : memref<64x512xf32, #tpu.memory_space<vmem>>, vector<64x512xf32>
    %dot_general3A_485 = arith.constant dense<0.000000e+00> : vector<512x1024xf32>
    %dot_general3A_486 = tpu.matmul %get3A_484, %squeeze3A_462, %dot_general3A_485 {dimension_numbers = #tpu.dot_dimension_numbers<[0], [0], [1], [1], [0, 1, 1, 1], [], []>, transpose_lhs_hint = false} : vector<64x512xf32>, vector<64x1024xf32>, vector<512x1024xf32> -> vector<512x1024xf32>
    %get3A_487 = arith.constant 0 : index
    %get3A_488 = arith.constant 0 : index
    %get3A_489 = vector.load %arg6[%get3A_487, %get3A_488] : memref<512x1xf32, #tpu.memory_space<vmem>>, vector<512x1xf32>
    %add3A_490 = vector.broadcast %add3A_481 : vector<1x1024xf32> to vector<512x1024xf32>
    %add3A_491 = vector.broadcast %get3A_489 : vector<512x1xf32> to vector<512x1024xf32>
    %add3A_492 = arith.addf %add3A_490, %add3A_491 : vector<512x1024xf32>
    %add3A_493 = arith.addf %add3A_492, %dot_general3A_486 : vector<512x1024xf32>
    %reduce_min3A_494 = arith.constant dense<0x7F800000> : vector<1024xf32>
    %reduce_min3A_495 = vector.multi_reduction <minimumf>, %add3A_493, %reduce_min3A_494 [0] : vector<512x1024xf32> to vector<1024xf32>
    %broadcast_in_dim3A_496 = vector.shape_cast %reduce_min3A_495 : vector<1024xf32> to vector<1x1024xf32>
    %iota3A_497 = tpu.iota {dimensions = array<i32: 0>} : vector<512x1024xi32>
    %eq3A_498 = vector.broadcast %broadcast_in_dim3A_496 : vector<1x1024xf32> to vector<512x1024xf32>
    %eq3A_499 = arith.cmpf oeq, %add3A_493, %eq3A_498 : vector<512x1024xf32>
    %jit3A_500 = arith.constant 512 : i32
    %broadcast_in_dim3A_501 = vector.broadcast %jit3A_500 : i32 to vector<512x1024xi32>
    %select_n3A_502 = arith.select %eq3A_499, %iota3A_497, %broadcast_in_dim3A_501 : vector<512x1024xi1>, vector<512x1024xi32>
    %reduce_min3A_503 = arith.constant dense<2147483647> : vector<1024xi32>
    %reduce_min3A_504 = vector.multi_reduction <minsi>, %select_n3A_502, %reduce_min3A_503 [0] : vector<512x1024xi32> to vector<1024xi32>
    %broadcast_in_dim3A_505 = vector.shape_cast %reduce_min3A_504 : vector<1024xi32> to vector<1x1024xi32>
    %eq3A_506 = vector.broadcast %broadcast_in_dim3A_505 : vector<1x1024xi32> to vector<512x1024xi32>
    %eq3A_507 = arith.cmpi eq, %iota3A_497, %eq3A_506 : vector<512x1024xi32>
    %convert_element_type3A_508 = arith.extui %eq3A_507 : vector<512x1024xi1> to vector<512x1024xi32>
    %convert_element_type3A_509 = arith.sitofp %convert_element_type3A_508 : vector<512x1024xi32> to vector<512x1024xf32>
    %rem3A_510 = arith.constant 1 : i32
    %rem3A_511 = arith.remsi %arg0, %rem3A_510 : i32
    %mul3A_512 = arith.constant 8 : i32
    %mul3A_513 = arith.muli %rem3A_511, %mul3A_512 : i32
    %add3A_514 = arith.constant 7 : i32
    %add3A_515 = arith.addi %mul3A_513, %add3A_514 : i32
    %swap3A_516 = arith.index_cast %add3A_515 : i32 to index
    %swap3A_517 = arith.constant 0 : index
    %swap3A_518 = vector.load %arg3[%swap3A_516, %swap3A_517] : memref<8x1024xi32, #tpu.memory_space<vmem>>, vector<1x1024xi32>
    tpu.vector_store %arg3[%swap3A_516, %swap3A_517], %broadcast_in_dim3A_505 {strides = array<i32>} : memref<8x1024xi32, #tpu.memory_space<vmem>>, vector<1x1024xi32>,
    %broadcast_in_dim3A_519 = arith.constant 1.000000e+00 : f32
    %broadcast_in_dim3A_520 = vector.broadcast %broadcast_in_dim3A_519 : f32 to vector<1024x1xf32>
    %dot_general3A_521 = arith.constant dense<0.000000e+00> : vector<512x1xf32>
    %dot_general3A_522 = tpu.matmul %convert_element_type3A_509, %broadcast_in_dim3A_520, %dot_general3A_521 {dimension_numbers = #tpu.dot_dimension_numbers<[1], [0], [0], [1], [0, 0, 1, 1], [], []>, transpose_lhs_hint = false} : vector<512x1024xf32>, vector<1024x1xf32>, vector<512x1xf32> -> vector<512x1xf32>
    %add3A_523 = arith.addf %add3A_456, %dot_general3A_522 : vector<512x1xf32>
    %get3A_524 = arith.constant 0 : index
    %get3A_525 = arith.constant 0 : index
    %get3A_526 = vector.load %arg8[%get3A_524, %get3A_525] : memref<512x1xf32, #tpu.memory_space<vmem>>, vector<512x1xf32>
    %add3A_527 = arith.addf %get3A_526, %add3A_523 : vector<512x1xf32>
    %swap3A_528 = arith.constant 0 : index
    %swap3A_529 = arith.constant 0 : index
    %swap3A_530 = vector.load %arg8[%swap3A_528, %swap3A_529] : memref<512x1xf32, #tpu.memory_space<vmem>>, vector<512x1xf32>
    tpu.vector_store %arg8[%swap3A_528, %swap3A_529], %add3A_527 {strides = array<i32>} : memref<512x1xf32, #tpu.memory_space<vmem>>, vector<512x1xf32>,
    %eq3A_531 = arith.constant 7 : i32
    %eq3A_532 = arith.cmpi eq, %arg0, %eq3A_531 : i32
    %convert_element_type3A_533 = arith.extui %eq3A_532 : i1 to i32
    %cond3A_534 = arith.constant 0 : i32
    %cond3A_535 = arith.cmpi ne, %convert_element_type3A_533, %cond3A_534 : i32
    scf.if %cond3A_535 {
      %get3A_536 = arith.constant 0 : index
      %get3A_537 = arith.constant 0 : index
      %get3A_538 = vector.load %arg8[%get3A_536, %get3A_537] : memref<512x1xf32, #tpu.memory_space<vmem>>, vector<512x1xf32>
      %mul3A_539 = arith.constant 1.52587891E-5 : f32
      %mul3A_540 = vector.broadcast %mul3A_539 : f32 to vector<512x1xf32>
      %mul3A_541 = arith.mulf %get3A_538, %mul3A_540 : vector<512x1xf32>
      %add3A_542 = arith.constant 1.000000e-10 : f32
      %add3A_543 = vector.broadcast %add3A_542 : f32 to vector<512x1xf32>
      %add3A_544 = arith.addf %mul3A_541, %add3A_543 : vector<512x1xf32>
      %log3A = math.log %add3A_544 : vector<512x1xf32>
      %mul3A_545 = arith.mulf %mul3A_541, %log3A : vector<512x1xf32>
      %reduce_sum3A = vector.shape_cast %mul3A_545 : vector<512x1xf32> to vector<1x512x1xf32>
      %reduce_sum3A_546 = arith.constant dense<0.000000e+00> : vector<1xf32>
      %reduce_sum3A_547 = vector.multi_reduction <add>, %reduce_sum3A, %reduce_sum3A_546 [1, 2] : vector<1x512x1xf32> to vector<1xf32>
      %reduce_sum3A_548 = vector.shape_cast %reduce_sum3A_547 : vector<1xf32> to vector<1x1x1xf32>
      %reduce_sum3A_549 = vector.extract %reduce_sum3A_548[0, 0, 0] : f32 from vector<1x1x1xf32>
      %broadcast_in_dim3A_550 = vector.broadcast %reduce_sum3A_549 : f32 to vector<1x1xf32>
      %neg3A = arith.constant 0.000000e+00 : f32
      %neg3A_551 = vector.broadcast %neg3A : f32 to vector<1x1xf32>
      %neg3A_552 = arith.subf %neg3A_551, %broadcast_in_dim3A_550 : vector<1x1xf32>
      %exp3A = math.exp %neg3A_552 : vector<1x1xf32>
      %swap3A_553 = arith.constant 0 : index
      %swap3A_554 = arith.constant 0 : index
      %swap3A_555 = vector.load %arg4[%swap3A_553, %swap3A_554] : memref<1x1xf32, #tpu.memory_space<vmem>>, vector<1x1xf32>
      tpu.vector_store %arg4[%swap3A_553, %swap3A_554], %exp3A {strides = array<i32>} : memref<1x1xf32, #tpu.memory_space<vmem>>, vector<1x1xf32>,
      %gt3A = arith.constant 0.000000e+00 : f32
      %gt3A_556 = vector.broadcast %gt3A : f32 to vector<512x1xf32>
      %gt3A_557 = arith.cmpf ogt, %get3A_538, %gt3A_556 : vector<512x1xf32>
      %convert_element_type3A_558 = arith.extui %gt3A_557 : vector<512x1xi1> to vector<512x1xi32>
      %reduce_sum3A_559 = vector.shape_cast %convert_element_type3A_558 : vector<512x1xi32> to vector<1x512x1xi32>
      %reduce_sum3A_560 = arith.constant dense<0> : vector<1xi32>
      %reduce_sum3A_561 = vector.multi_reduction <add>, %reduce_sum3A_559, %reduce_sum3A_560 [1, 2] : vector<1x512x1xi32> to vector<1xi32>
      %reduce_sum3A_562 = vector.shape_cast %reduce_sum3A_561 : vector<1xi32> to vector<1x1x1xi32>
      %reduce_sum3A_563 = vector.extract %reduce_sum3A_562[0, 0, 0] : i32 from vector<1x1x1xi32>
      %broadcast_in_dim3A_564 = vector.broadcast %reduce_sum3A_563 : i32 to vector<1x1xi32>
      %swap3A_565 = arith.constant 0 : index
      %swap3A_566 = arith.constant 0 : index
      %swap3A_567 = vector.load %arg5[%swap3A_565, %swap3A_566] : memref<1x1xi32, #tpu.memory_space<vmem>>, vector<1x1xi32>
      tpu.vector_store %arg5[%swap3A_565, %swap3A_566], %broadcast_in_dim3A_564 {strides = array<i32>} : memref<1x1xi32, #tpu.memory_space<vmem>>, vector<1x1xi32>,
    } else {
    }
    return
  }
  func.func @transform_0(%arg0: i32) -> (i32, i32, i32) {
    %c0_i32 = arith.constant 0 : i32
    %c0_i32_0 = arith.constant 0 : i32
    %c0_i32_1 = arith.constant 0 : i32
    return %arg0, %c0_i32, %c0_i32_0 : i32, i32, i32
  }
  func.func @transform_1(%arg0: i32) -> (i32, i32) {
    %c0_i32 = arith.constant 0 : i32
    %c0_i32_0 = arith.constant 0 : i32
    %c0_i32_1 = arith.constant 0 : i32
    return %c0_i32, %c0_i32_0 : i32, i32
  }
  func.func @transform_2(%arg0: i32) -> (i32, i32) {
    %jit3A = arith.constant 1 : i32
    %div3A = arith.divsi %arg0, %jit3A : i32
    %sign3A = arith.constant 0 : i32
    %sign3A_0 = arith.cmpi sgt, %arg0, %sign3A : i32
    %sign3A_1 = arith.extui %sign3A_0 : i1 to i32
    %sign3A_2 = arith.constant 0 : i32
    %sign3A_3 = arith.cmpi slt, %arg0, %sign3A_2 : i32
    %sign3A_4 = arith.extui %sign3A_3 : i1 to i32
    %sign3A_5 = arith.subi %sign3A_1, %sign3A_4 : i32
    %sign3A_6 = arith.constant 0 : i32
    %sign3A_7 = arith.cmpi sgt, %jit3A, %sign3A_6 : i32
    %sign3A_8 = arith.extui %sign3A_7 : i1 to i32
    %sign3A_9 = arith.constant 0 : i32
    %sign3A_10 = arith.cmpi slt, %jit3A, %sign3A_9 : i32
    %sign3A_11 = arith.extui %sign3A_10 : i1 to i32
    %sign3A_12 = arith.subi %sign3A_8, %sign3A_11 : i32
    %ne3A = arith.cmpi ne, %sign3A_5, %sign3A_12 : i32
    %rem3A = arith.remsi %arg0, %jit3A : i32
    %ne3A_13 = arith.constant 0 : i32
    %ne3A_14 = arith.cmpi ne, %rem3A, %ne3A_13 : i32
    %and3A = arith.andi %ne3A, %ne3A_14 : i1
    %sub3A = arith.constant 1 : i32
    %sub3A_15 = arith.subi %div3A, %sub3A : i32
    %select_n3A = arith.select %and3A, %sub3A_15, %div3A : i32
    %c0_i32 = arith.constant 0 : i32
    %c0_i32_16 = arith.constant 0 : i32
    return %select_n3A, %c0_i32 : i32, i32
  }
  func.func @transform_3(%arg0: i32) -> (i32, i32) {
    %c0_i32 = arith.constant 0 : i32
    %c0_i32_0 = arith.constant 0 : i32
    %c0_i32_1 = arith.constant 0 : i32
    return %c0_i32, %c0_i32_0 : i32, i32
  }
  func.func @transform_4(%arg0: i32) -> (i32, i32) {
    %c0_i32 = arith.constant 0 : i32
    %c0_i32_0 = arith.constant 0 : i32
    %c0_i32_1 = arith.constant 0 : i32
    return %c0_i32, %c0_i32_0 : i32, i32
  }
}

</mosaic_0001>

<sc_bundles>
// kernel: kernel.4.cloned.1.call-start
scs
__scs_entry_jumppad:
0x0: {  	(pc) =	sbr.rel $0x88, $3  }
0x1: {  	(tag) =	ssettag $0x0;
	lr =	simm.s32 $0x1  }
0x2: {  	[smem:$0x3F9F] =	sst lr;
	_ =	strace $0xD0000000  }
0x3: {  	_ = 	snop  }
0x4: {  	_ = 	snop  }
0x5: {  	_ = 	snop  }
0x6: {  	_ = 	snop  }
0x7: {  	_ = 	snop  }
__scs_overlays_trampoline_lowered:
0x8: {  	[smem:$0x3FAE] =	sst s0  }
0x9: {  	[smem:$0x3FAF] =	sst s1  }
0xa: {  	[smem:$0x3FB0] =	sst s2  }
0xb: {  	[smem:$0x3FB1] =	sst s3  }
0xc: {  	[smem:$0x3FB2] =	sst s4  }
0xd: {  	[smem:$0x3FB3] =	sst s5  }
0xe: {  	[smem:$0x3FB4] =	sst s6  }
0xf: {  	[smem:$0x3FB5] =	sst s7  }
0x10: {  	[smem:$0x3FB6] =	sst s8  }
0x11: {  	[smem:$0x3FB7] =	sst s9;
	s0 =	simm.s32 @!p0 $0x0  }
0x12: {  	s1 =	sld [smem:$0x3F9D];
	s0 =	simm.s32 @p0 $0x1  }
0x13: {  	[smem:$0x3FB8] =	sst s0;
	s0 =	simm.s32 @!p1 $0x0  }
0x14: {  	s2 =	sld [smem:$0x3F9C];
	s0 =	simm.s32 @p1 $0x1  }
0x15: {  	[smem:$0x3FB9] =	sst s0;
	s0 =	simm.s32 @!p2 $0x0  }
0x16: {  	s3 =	sld [smem:$0x3FDB];
	s0 =	simm.s32 @p2 $0x1  }
0x17: {  	s4 =	simm.s32 $0x1BF5;
	[smem:$0x3FBB] =	sst s0  }
0x18: {  	s0 =	sld [smem:$0x3F9E];
	_ =	swait.ge [sflag:s4], $0x0  }
0x19: {  	s7 =	sld [smem:$0x3F9F]  }
0x1a: {  	s8 =	sadd.s32 $0xFFFFE003, lr  }
0x1b: {  	s9 =	sadd.s32 $0xFFFFFEF7, lr;
	s5 =	simm.s32 $0xFFFFFFFF;
	p2 =	slt.u32 s8, $0xFFFFF086  }
0x1c: {  	p1 =	slt.u32 s9, $0xF7A;
	s5 =	simm.s32 @!p2 $0x0  }
0x1d: {  	s5 =	simm.s32 @p1 $0x1;
	p0 =	seq.s32 s7, s2  }
0x1e: {  	s7 =	smul.u32 @!p0 $0xF7A, s2;
	p2 =	seq.s32 @!p0 s5, $0x0  }
0x1f: {  	s9 =	smul.u32 $0xF7A, s1;
	s8 =	simm.s32 @!p0 $0x1BF5;
	p2 =	por !p2, p0  }
0x20: {  	[sflag:s8] =	ssyncset.s32 @!p0 $0xFFFFF086;
	s6 =	sadd.s32 @!p0 s3, s7;
	s7 =	simm.s32 @!p0 $0x108  }
0x21: {  	s3 =	sadd.s32 s3, s9;
	s6 =	sadd.s32 @!p0 $0x88, s6;
	s7 =	simm.s32 @p2 $0x1082  }
0x22: {  	[simem:s7], [sflag:s8] =	dma.local @!p0 [hbm:s6], $0xF7A  }
0x23: {  	s9 =	sor.u32 $0xD0000000, s2;
	s6 =	simm.s32 $0x108;
	_ =	swait.ge @!p0 [sflag:s8], $0x0  }
0x24: {  	s3 =	sadd.s32 $0x88, s3;
	s6 =	simm.s32 @!p1 $0x1082;
	[sflag:s4] =	ssyncset.s32 $0xFFFFF086  }
0x25: {  	[simem:s6], [sflag:s4] =	dma.local [hbm:s3], $0xF7A  }
0x26: {  	[smem:$0x3F9F] =	sst s1;
	(tag) =	ssettag s2;
	_ =	strace s9  }
0x27: {  	s1 =	sld [smem:$0x3FAF]  }
0x28: {  	s2 =	sld [smem:$0x3FB0]  }
0x29: {  	s4 =	sld [smem:$0x3FB2]  }
0x2a: {  	p0 =	seq.s32 s5, $0x0;
	s5 =	sld [smem:$0x3FB3]  }
0x2b: {  	s6 =	sld [smem:$0x3FB4]  }
0x2c: {  	s7 =	sld [smem:$0x3FB5]  }
0x2d: {  	s3 =	simm.s32 $0x108;
	s8 =	sld [smem:$0x3FB6]  }
0x2e: {  	s3 =	simm.s32 @!p0 $0x1082;
	s9 =	sld [smem:$0x3FB7]  }
0x2f: {  	lr =	sadd.s32 s0, s3;
	s0 =	sld [smem:$0x3FAE]  }
0x30: {  	s3 =	sld [smem:$0x3FB1]  }
0x31: {  	[smem:$0x3FBA] =	sst s10  }
0x32: {  	s10 =	sld [smem:$0x3FB8];
	_ =	sdelay $0x3  }
0x33: {  	p0 =	seq.s32 s10, $0x1;
	s10 =	sld [smem:$0x3FBA];
	_ =	sdelay $0x3  }
0x34: {  	[smem:$0x3FBA] =	sst s10  }
0x35: {  	s10 =	sld [smem:$0x3FB9];
	_ =	sdelay $0x3  }
0x36: {  	p1 =	seq.s32 s10, $0x1;
	s10 =	sld [smem:$0x3FBA];
	_ =	sdelay $0x3  }
0x37: {  	[smem:$0x3FBA] =	sst s10  }
0x38: {  	s10 =	sld [smem:$0x3FBB]  }
0x39: {  	_ = 	snop;
	(pc) =	sbr.ind lr, $3  }
0x3a: {  	_ = 	snop  }
0x3b: {  	_ = 	snop  }
0x3c: {  	p2 =	seq.s32 s10, $0x1;
	s10 =	sld [smem:$0x3FBA]  }
0x3d: {  	_ =	shalt  }
0x3e: {  	_ =	shalt  }
0x3f: {  	_ =	shalt  }
0x40: {  	_ =	shalt  }
0x41: {  	_ =	shalt  }
0x42: {  	_ =	shalt  }
0x43: {  	_ =	shalt  }
0x44: {  	_ =	shalt  }
0x45: {  	_ =	shalt  }
0x46: {  	_ =	shalt  }
0x47: {  	_ =	shalt  }
0x48: {  	_ =	shalt  }
0x49: {  	_ =	shalt  }
0x4a: {  	_ =	shalt  }
0x4b: {  	_ =	shalt  }
0x4c: {  	_ =	shalt  }
0x4d: {  	_ =	shalt  }
0x4e: {  	_ =	shalt  }
0x4f: {  	_ =	shalt  }
0x50: {  	_ =	shalt  }
0x51: {  	_ =	shalt  }
0x52: {  	_ =	shalt  }
0x53: {  	_ =	shalt  }
0x54: {  	_ =	shalt  }
0x55: {  	_ =	shalt  }
0x56: {  	_ =	shalt  }
0x57: {  	_ =	shalt  }
0x58: {  	_ =	shalt  }
0x59: {  	_ =	shalt  }
0x5a: {  	_ =	shalt  }
0x5b: {  	_ =	shalt  }
0x5c: {  	_ =	shalt  }
0x5d: {  	_ =	shalt  }
0x5e: {  	_ =	shalt  }
0x5f: {  	_ =	shalt  }
0x60: {  	_ =	shalt  }
0x61: {  	_ =	shalt  }
0x62: {  	_ =	shalt  }
0x63: {  	_ =	shalt  }
0x64: {  	_ =	shalt  }
0x65: {  	_ =	shalt  }
0x66: {  	_ =	shalt  }
0x67: {  	_ =	shalt  }
0x68: {  	_ =	shalt  }
0x69: {  	_ =	shalt  }
0x6a: {  	_ =	shalt  }
0x6b: {  	_ =	shalt  }
0x6c: {  	_ =	shalt  }
0x6d: {  	_ =	shalt  }
0x6e: {  	_ =	shalt  }
0x6f: {  	_ =	shalt  }
0x70: {  	_ =	shalt  }
0x71: {  	_ =	shalt  }
0x72: {  	_ =	shalt  }
0x73: {  	_ =	shalt  }
0x74: {  	_ =	shalt  }
0x75: {  	_ =	shalt  }
0x76: {  	_ =	shalt  }
0x77: {  	_ =	shalt  }
0x78: {  	_ =	shalt  }
0x79: {  	_ =	shalt  }
0x7a: {  	_ =	shalt  }
0x7b: {  	_ =	shalt  }
0x7c: {  	_ =	shalt  }
0x7d: {  	_ =	shalt  }
0x7e: {  	_ =	shalt  }
0x7f: {  	_ =	shalt  }
0x80: {  	_ =	shalt  }
0x81: {  	_ =	shalt  }
0x82: {  	_ =	shalt  }
0x83: {  	_ =	shalt  }
0x84: {  	_ =	shalt  }
0x85: {  	_ =	shalt  }
0x86: {  	_ =	shalt  }
0x87: {  	_ =	shalt  }
.Lfunc_end0:
.L_simem_size_0:
called_computation_lowered:
.L_overlay_start_0:
0x88: {  	s2 =	sld [smem:$0x3FD9]  }
0x89: {  	s3 =	sld [smem:$0x3FFE];
	_ =	sdelay $0x1  }
0x8a: {  	s1 =	srdreg.scid  }
0x8b: {  	s0 =	sand.u32 $0x1, s1  }
0x8c: {  	s14 =	sshll.u32 s0, $0xA;
	s2 =	sadd.s32 s3, s2  }
0x8d: {  	s2 =	sadd.s32 s2, s14  }
0x8e: {  	[smem:$0x3FC6] =	sst s2  }
0x8f: {  	_ = 	snop  }
0x90: {  	s2 =	sld [smem:$0x3FD0];
	_ =	sdelay $0x2  }
0x91: {  	s15 =	simm.s32 $0xA;
	s4 =	simm.s32 $0x10  }
0x92: {  	[smem:s4], [sflag:s15] =	dma.local [hbm:s2], $0x1  }
0x93: {  	_ =	swait.eq [sflag:s15], $0x1  }
0x94: {  	[sflag:s15] =	ssyncset.done $0x0  }
0x95: {  	[sflag:s15] =	ssyncadd.s32 $0xFFFFFFFF  }
0x96: {  	s16 =	sld [smem:$0x10];
	(tm) =	ssettm $0x1  }
0x97: {  	s17 =	sld [smem:$0x3FFB];
	_ =	sdelay $0x3  }
0x98: {  	_ =	strace s17  }
0x99: {  	s3 =	sld [smem:$0x3FFC];
	_ =	sdelay $0x3  }
0x9a: {  	_ =	strace s3  }
0x9b: {  	s3 =	sld [smem:$0x3FFD];
	_ =	sdelay $0x3  }
0x9c: {  	_ =	strace s3  }
0x9d: {  	_ =	strace $0x8FFFFFFF  }
0x9e: {  	s18 =	sld [smem:$0x3FDB];
	_ =	sdelay $0x1  }
0x9f: {  	s19 =	simm.s32 $_scs_section_size  }
0xa0: {  	s5 =	simm.s32 $_size__tile_overlayer_lowered;
	s6 =	simm.s32 $_tile_overlayer_lowered  }
0xa1: {  	s22 =	simm.s32 $0x1BFF;
	s21 =	sshll.u32 s6, $0x1;
	s3 =	sadd.s32 s19, s18  }
0xa2: {  	s7 =	simm.s32 $0x0;
	s20 =	sshll.u32 s5, $0x1;
	s5 =	sadd.s32 s21, s3  }
0xa3: {  	[timem:s7], [sflag:s22] =	dma.local [hbm:s5], s20  }
0xa4: {  	_ =	swait.ge [sflag:s22], s20  }
0xa5: {  	s4 =	ssub.s32 $0x0, s20;
	[sflag:s22] =	ssyncset.done $0x0  }
0xa6: {  	[sflag:s22] =	ssyncadd.s32 s4;
	_ =	sdelay $0x1  }
0xa7: {  	s23 =	simm.s32 $0x1B8B  }
0xa8: {  	_ =	swait.ge [sflag:s23], $0x1  }
0xa9: {  	[sflag:s23] =	ssyncset.done $0x0  }
0xaa: {  	s25 =	simm.s32 $0x1B8E;
	s24 =	sld [smem:$0x3FFE];
	[sflag:s23] =	ssyncadd.s32 $0xFFFFFFFF  }
0xab: {  	s26 =	simm.s32 $execute0_lowered;
	[smem:$0x3FD2] =	sst s25  }
0xac: {  	s5 =	sshll.u32 s26, $0x1;
	_ =	strace $0x80000046;
	[dreg:$0x1] =	wrdreg $0xFFFFFFFF  }
0xad: {  	s28 =	simm.s32 $_size_execute0_lowered;
	s3 =	sadd.s32 s3, s5;
	[dreg:$0x0] =	wrdreg $0x0  }
0xae: {  	s5 =	sshll.u32 s28, $0x1;
	[dreg:$0x2] =	wrdreg s3  }
0xaf: {  	[dreg:$0x3] =	wrdreg s5  }
0xb0: {  	[dreg:$0x4] =	wrdreg $0xC0  }
0xb1: {  	_ =	task [dreg:s7], $0x5FFFF  }
0xb2: {  	[dreg:$0x1] =	wrdreg $0xFFFFFFFF  }
0xb3: {  	[dreg:$0x0] =	wrdreg $0x60  }
0xb4: {  	[dreg:$0x2] =	wrdreg s16  }
0xb5: {  	[dreg:$0x3] =	wrdreg s24  }
0xb6: {  	[dreg:$0x4] =	wrdreg $0x9  }
0xb7: {  	_ =	task.clear_ibuf [dreg:s7], $0x5FFFF;
	_ =	strace $0x90000046  }
0xb8: {  	s29 =	simm.s32 $0x9;
	_ =	strace $0x80000048  }
0xb9: {  	_ =	swait.ge [sflag:s29], $0x1  }
0xba: {  	[sflag:s29] =	ssyncadd.s32 $0xFFFFFFFF  }
0xbb: {  	_ =	strace $0x90000048  }
0xbc: {  	_ =	sfence  }
0xbd: {  	s30 =	sld [smem:$0x0];
	_ =	sdelay $0x2  }
0xbe: {  	s31 =	sshll.u32 s1, $0xD;
	s1 =	sshrl.u32 s1, $0x2  }
0xbf: {  	s3 =	sand.u32 $0x4000, s31;
	s1 =	sadd.s32 s1, s30  }
0xc0: {  	s0 =	sor.u32 s3, s0;
	s1 =	sshll.u32 s1, $0x11  }
0xc1: {  	s0 =	sor.u32 s1, s0  }
0xc2: {  	s0 =	sadd.s32 $0x8F2B, s0  }
0xc3: {  	[sflag:s0] =	ssyncadd.remote.s32 $0x1  }
0xc4: {  	_ =	sfence.sel $0xFFFF  }
0xc5: {  	[dreg:$0x0] =	wrdreg $0xFFFFFFFF;
	(pc) =	sbr.abs _section_cstart, $3  }
0xc6: {  	[dreg:$0x1] =	wrdreg $0xFFFFFFFF  }
0xc7: {  	_ =	task.clear_ibuf [dreg:s7], $0x2FFFF;
	_ =	strace $0x9FFFFFFF  }
0xc8: {  	(tm) =	ssettm $0x7FFFFFFF  }
0xc9: {  	_ =	shalt  }
tec
execute0_lowered:
.L_overlay_start_1:
0x0: {  	(tag) =	ssettag $0x1  }
0x1: {  	s1 =	srdreg.scid  }
0x2: {  	s0 =	stileid.u32;
	s13 =	sand.u32 $0x1, s1  }
0x3: {  	s2 =	rddreg [dreg:$0x0];
	s31 =	sshll.u32 s0, $0xC;
	s3 =	sshll.u32 s13, $0xB  }
0x4: {  	s9 =	rddreg [dreg:$0x1];
	s10 =	sor.u32 s3, s31  }
0x5: {  	s1 =	rddreg [dreg:$0x2];
	s3 =	simm.s32 $0x0;
	s4 =	sshrl.u32 s10, $0x3  }
0x6: {  	[smem:$0x7FF] =	sst s3;
	s4 =	sadd.s32 s4, s9  }
0x7: {  	_ =	strace $0x80000047;
	s5 =	sadd.s32 $0xA00, s4;
	s4 =	simm.s32 $0x2  }
0x8: {  	[tilespmem:s3], [sflag:$0x2] =	stream.linear.gather [hbm4b:s5+s3], $0x800, $0x38;
	[tilespmem:$0x10800] =	vst v63  }
0x9: {  	_ =	swait.ge [sflag:s4], $0x800  }
0xa: {  	s6 =	simm.s32 $0x200;
	[sflag:s4] =	ssyncset.done $0x0  }
0xb: {  	s7 =	simm.s32 $0x800;
	s8 =	simm.s32 $0x1;
	[sflag:s4] =	ssyncadd.s32 $0xFFFFF800  }
0xc: {  	[tilespmem:s7], [sflag:$0x1] =	stream.indirect.gather [hbm4b:s2+s6], $0x80, s3, s6, $0xb8;
	[tilespmem:$0x10800] =	vst v63  }
0xd: {  	s10 =	sshll.u32 s10, $0x4;
	_ =	swait.ge [sflag:s8], $0x10000  }
0xe: {  	s14 =	sadd.s32 s10, s9;
	[sflag:s8] =	ssyncset.done $0x0  }
0xf: {  	s9 =	sadd.s32 $0x2A00, s14;
	[sflag:s8] =	ssyncadd.s32 $0xFFFF0000  }
0x10: {  	[hbm4b:s9+s3] =	stream.linear.scatter [tilespmem:s7], [sflag:$0x2], $0x10000, $0x38;
	[tilespmem:$0x10800] =	vst v63  }
0x11: {  	_ =	swait.ge [sflag:s4], $0x10000  }
0x12: {  	[sflag:s4] =	ssyncset.done $0x0  }
0x13: {  	[sflag:s4] =	ssyncadd.s32 $0xFFFF0000  }
0x14: {  	[tilespmem:s7], [sflag:$0x1] =	stream.indirect.gather [hbm4b:s2+s6], $0x80, s6, s6, $0xb8;
	[tilespmem:$0x10800] =	vst v63  }
0x15: {  	_ =	swait.ge [sflag:s8], $0x10000  }
0x16: {  	[sflag:s8] =	ssyncset.done $0x0  }
0x17: {  	s10 =	sadd.s32 $0x4A00, s14;
	[sflag:s8] =	ssyncadd.s32 $0xFFFF0000  }
0x18: {  	[hbm4b:s10+s3] =	stream.linear.scatter [tilespmem:s7], [sflag:$0x2], $0x10000, $0x38;
	[tilespmem:$0x10800] =	vst v63  }
0x19: {  	_ =	swait.ge [sflag:s4], $0x10000  }
0x1a: {  	[sflag:s4] =	ssyncset.done $0x0  }
0x1b: {  	s11 =	simm.s32 $0x400;
	[sflag:s4] =	ssyncadd.s32 $0xFFFF0000  }
0x1c: {  	[tilespmem:s7], [sflag:$0x1] =	stream.indirect.gather [hbm4b:s2+s6], $0x80, s11, s6, $0xb8;
	[tilespmem:$0x10800] =	vst v63  }
0x1d: {  	_ =	swait.ge [sflag:s8], $0x10000  }
0x1e: {  	[sflag:s8] =	ssyncset.done $0x0  }
0x1f: {  	s15 =	ssub.s32 $0x2, s13;
	s12 =	sadd.s32 $0x6A00, s14;
	[sflag:s8] =	ssyncadd.s32 $0xFFFF0000  }
0x20: {  	[hbm4b:s12+s3] =	stream.linear.scatter [tilespmem:s7], [sflag:$0x2], $0x10000, $0x38;
	[tilespmem:$0x10800] =	vst v63  }
0x21: {  	s16 =	sshrl.u32 s15, $0x1;
	_ =	swait.ge [sflag:s4], $0x10000  }
0x22: {  	s15 =	ssub.s32 s15, s16;
	[sflag:s4] =	ssyncset.done $0x0  }
0x23: {  	s13 =	simm.s32 $0x600;
	s15 =	smax.u32 s15, $0x1;
	[sflag:s4] =	ssyncadd.s32 $0xFFFF0000  }
0x24: {  	[tilespmem:s7], [sflag:$0x1] =	stream.indirect.gather [hbm4b:s2+s6], $0x80, s13, s6, $0xb8;
	[tilespmem:$0x10800] =	vst v63  }
0x25: {  	p0 =	sne.s32 s15, $0x1;
	_ =	swait.ge [sflag:s8], $0x10000  }
.Ltmp0:
0x26: {  	[sflag:s8] =	ssyncset.done $0x0;
	(pc) =	sbr.rel @!p0 .LBB2_2-.Ltmp0, $4  }
0x27: {  	s14 =	sadd.s32 $0x8A00, s14;
	[sflag:s8] =	ssyncadd.s32 $0xFFFF0000  }
0x28: {  	[hbm4b:s14+s3] =	stream.linear.scatter [tilespmem:s7], [sflag:$0x2], $0x10000, $0x38;
	[tilespmem:$0x10800] =	vst v63  }
0x29: {  	_ =	swait.ge [sflag:s4], $0x10000  }
0x2a: {  	s15 =	sadd.s32 $0xFFFFFFFF, s15;
	[sflag:s4] =	ssyncset.done $0x0  }
.LBB2_1:
0x2b: {  	p0 =	sne.s32 s15, $0x1;
	s15 =	sadd.s32 $0xFFFFFFFF, s15;
	[sflag:s4] =	ssyncadd.s32 $0xFFFF0000  }
0x2c: {  	[tilespmem:s3], [sflag:$0x2] =	stream.linear.gather [hbm4b:s5+s3], $0x800, $0x38;
	[tilespmem:$0x10800] =	vst v63  }
0x2d: {  	_ =	swait.ge [sflag:s4], $0x800  }
0x2e: {  	[sflag:s4] =	ssyncset.done $0x0  }
0x2f: {  	[sflag:s4] =	ssyncadd.s32 $0xFFFFF800  }
0x30: {  	[tilespmem:s7], [sflag:$0x1] =	stream.indirect.gather [hbm4b:s2+s6], $0x80, s3, s6, $0xb8;
	[tilespmem:$0x10800] =	vst v63  }
0x31: {  	_ =	swait.ge [sflag:s8], $0x10000  }
0x32: {  	[sflag:s8] =	ssyncset.done $0x0  }
0x33: {  	[sflag:s8] =	ssyncadd.s32 $0xFFFF0000  }
0x34: {  	[hbm4b:s9+s3] =	stream.linear.scatter [tilespmem:s7], [sflag:$0x2], $0x10000, $0x38;
	[tilespmem:$0x10800] =	vst v63  }
0x35: {  	_ =	swait.ge [sflag:s4], $0x10000  }
0x36: {  	[sflag:s4] =	ssyncset.done $0x0  }
0x37: {  	[sflag:s4] =	ssyncadd.s32 $0xFFFF0000  }
0x38: {  	[tilespmem:s7], [sflag:$0x1] =	stream.indirect.gather [hbm4b:s2+s6], $0x80, s6, s6, $0xb8;
	[tilespmem:$0x10800] =	vst v63  }
0x39: {  	_ =	swait.ge [sflag:s8], $0x10000  }
0x3a: {  	[sflag:s8] =	ssyncset.done $0x0  }
0x3b: {  	[sflag:s8] =	ssyncadd.s32 $0xFFFF0000  }
0x3c: {  	[hbm4b:s10+s3] =	stream.linear.scatter [tilespmem:s7], [sflag:$0x2], $0x10000, $0x38;
	[tilespmem:$0x10800] =	vst v63  }
0x3d: {  	_ =	swait.ge [sflag:s4], $0x10000  }
0x3e: {  	[sflag:s4] =	ssyncset.done $0x0  }
0x3f: {  	[sflag:s4] =	ssyncadd.s32 $0xFFFF0000  }
0x40: {  	[tilespmem:s7], [sflag:$0x1] =	stream.indirect.gather [hbm4b:s2+s6], $0x80, s11, s6, $0xb8;
	[tilespmem:$0x10800] =	vst v63  }
0x41: {  	_ =	swait.ge [sflag:s8], $0x10000  }
0x42: {  	[sflag:s8] =	ssyncset.done $0x0  }
0x43: {  	[sflag:s8] =	ssyncadd.s32 $0xFFFF0000  }
0x44: {  	[hbm4b:s12+s3] =	stream.linear.scatter [tilespmem:s7], [sflag:$0x2], $0x10000, $0x38;
	[tilespmem:$0x10800] =	vst v63  }
0x45: {  	_ =	swait.ge [sflag:s4], $0x10000  }
0x46: {  	[sflag:s4] =	ssyncset.done $0x0  }
0x47: {  	[sflag:s4] =	ssyncadd.s32 $0xFFFF0000  }
0x48: {  	[tilespmem:s7], [sflag:$0x1] =	stream.indirect.gather [hbm4b:s2+s6], $0x80, s13, s6, $0xb8;
	[tilespmem:$0x10800] =	vst v63  }
0x49: {  	_ =	swait.ge [sflag:s8], $0x10000  }
.Ltmp1:
0x4a: {  	[sflag:s8] =	ssyncset.done $0x0;
	(pc) =	sbr.rel @p0 .LBB2_1-.Ltmp1, $4  }
0x4b: {  	[sflag:s8] =	ssyncadd.s32 $0xFFFF0000  }
0x4c: {  	[hbm4b:s14+s3] =	stream.linear.scatter [tilespmem:s7], [sflag:$0x2], $0x10000, $0x38;
	[tilespmem:$0x10800] =	vst v63  }
0x4d: {  	_ =	swait.ge [sflag:s4], $0x10000  }
0x4e: {  	[sflag:s4] =	ssyncset.done $0x0  }
.LBB2_2:
0x4f: {  	[sflag:s4] =	ssyncadd.s32 $0xFFFF0000  }
0x50: {  	_ =	sfence.sel $0x180000  }
0x51: {  	[bflag:$0x0] =	sbarrier.arrive $0xFFFF  }
0x52: {  	p0 =	sne.s32 s0, $0x0;
	_ =	strace $0x90000047  }
0x53: {  	s0 =	sadd.s32 @!p0 $0x100000, s1;
	[bflag:$0x2] =	sbarrier.arrive $0xFFFF  }
0x54: {  	[sflag:s0] =	ssyncadd.tile.s32 @!p0 $0x1;
	_ =	shalt  }
.Lfunc_end2:
_tile_overlayer_lowered:
.L_overlay_start_2:
0x55: {  	(tag) =	ssettag $0x2  }
0x56: {  	s0 =	rddreg [dreg:$0x0];
	s2 =	stileid.u32  }
0x57: {  	s1 =	rddreg [dreg:$0x1];
	p0 =	sne.s32 s2, $0x0  }
0x58: {  	s3 =	rddreg [dreg:$0x2];
	[bflag:$0x3] =	sbarrier.arrive $0xFFFF;
	s2 =	simm.s32 @!p0 $0x1C02  }
0x59: {  	[timem:s3], [sflag:s2] =	dma.local @!p0 [hbm:s0], s1  }
0x5a: {  	s0 =	simm.s32 @!p0 $0x2  }
0x5b: {  	_ =	swait.ge @!p0 [sflag:s0], s1  }
0x5c: {  	s1 =	ssub.s32 @!p0 $0x0, s1;
	[sflag:s0] =	ssyncset.done @!p0 $0x0  }
0x5d: {  	[sflag:s0] =	ssyncadd.s32 @!p0 s1  }
0x5e: {  	[bflag:$0x3] =	sbarrier.arrive $0xFFFF  }
0x5f: {  	_ =	shalt  }

</sc_bundles>
